<compile_context>
chip_gen: v7x
topology: tpu7x:2x2x1
jax: 0.10.2.dev20260603
libtpu: 0.0.44.dev20260713+nightly
codegen_flags: <defaults>
</compile_context>

<pallas_src>
import jax
import jax.numpy as jnp
from jax import lax
from jax.experimental import pallas as pl
from jax.experimental.pallas import tpu as pltpu
from jax.experimental.pallas import tpu_sc as plsc

NC = 2
NS = 16
CHUNK = 80
CR = 64
D = 128


def _seg_rows(num_segments):
    per_tile = -(-num_segments // NS)
    return -(-per_tile // CR) * CR


def _sc_segsum(table, dst, num_segments, src=None):
    E = dst.shape[0]
    NW = NC * NS
    epw = E // NW
    n_chunks = epw // CHUNK
    rpt = _seg_rows(num_segments)
    NP = NS * rpt

    mesh = plsc.VectorSubcoreMesh(core_axis_name="c", subcore_axis_name="s",
                                  num_cores=NC, num_subcores=NS)

    scratch = [
        pltpu.VMEM_SHARED((NP, D), jnp.float32),
        pltpu.VMEM((CHUNK,), jnp.int32),
        pltpu.VMEM((CHUNK, D), jnp.float32),
        pltpu.VMEM((CR, D), jnp.float32),
        pltpu.SemaphoreType.DMA,
    ]
    if src is not None:
        scratch.insert(1, pltpu.VMEM((CHUNK,), jnp.int32))

    def body(*refs):
        if src is not None:
            (table_hbm, src_hbm, dst_hbm,
             out_hbm, acc, idx_s, idx_d, rows, stage, sem) = refs
        else:
            (table_hbm, dst_hbm,
             out_hbm, acc, idx_d, rows, stage, sem) = refs
        c = lax.axis_index("c")
        s = lax.axis_index("s")
        r0 = pl.multiple_of(s * rpt, 8)

        zv = jnp.zeros((16,), jnp.float32)

        def zrow(r, carry):
            for j in range(D // 16):
                stage[r, pl.ds(j * 16, 16)] = zv
            return carry

        lax.fori_loop(0, CR, zrow, 0)

        def zcopy(k, carry):
            rk = pl.multiple_of(r0 + k * CR, 8)
            pltpu.sync_copy(stage, acc.at[pl.ds(rk, CR)])
            return carry

        lax.fori_loop(0, rpt // CR, zcopy, 0)
        plsc.subcore_barrier()

        base0 = (c * NS + s) * epw

        def step(g, carry):
            base = pl.multiple_of(base0 + g * CHUNK, 8)
            pltpu.sync_copy(dst_hbm.at[pl.ds(base, CHUNK)], idx_d)
            if src is not None:
                pltpu.sync_copy(src_hbm.at[pl.ds(base, CHUNK)], idx_s)
                pltpu.async_copy(table_hbm.at[idx_s], rows, sem).wait()
            else:
                pltpu.sync_copy(table_hbm.at[pl.ds(base, CHUNK)], rows)
            pltpu.sync_copy(rows, acc.at[idx_d], add=True)
            return carry

        lax.fori_loop(0, n_chunks, step, 0)
        plsc.subcore_barrier()

        w0 = pl.multiple_of(c * NP + r0, 8)

        def wcopy(k, carry):
            rk = pl.multiple_of(r0 + k * CR, 8)
            wk = pl.multiple_of(w0 + k * CR, 8)
            pltpu.sync_copy(acc.at[pl.ds(rk, CR)], stage)
            pltpu.sync_copy(stage, out_hbm.at[pl.ds(wk, CR)])
            return carry

        lax.fori_loop(0, rpt // CR, wcopy, 0)

    k = pl.kernel(body,
                  out_type=jax.ShapeDtypeStruct((NC * NP, D), jnp.float32),
                  mesh=mesh, scratch_types=tuple(scratch))
    if src is not None:
        return k(table, src, dst)
    return k(table, dst)


def _tc_gru(Ap, Egp, x, WxT, WeTp, WihT, WhhT, bih, bhh):
    N, _ = x.shape
    BN = 2000
    grid = (N // BN,)

    def body(ap, egp, xr, wxt, wetp, wiht, whht, bi, bh, o):
        A = ap[0] + ap[1]
        Eg = egp[0] + egp[1]
        m = (jnp.dot(A, wxt[...], preferred_element_type=jnp.float32)
             + jnp.dot(Eg, wetp[...], preferred_element_type=jnp.float32))
        gi = jnp.dot(m, wiht[...], preferred_element_type=jnp.float32) + bi[...]
        gh = jnp.dot(xr[...], whht[...], preferred_element_type=jnp.float32) + bh[...]
        r = jax.nn.sigmoid(gi[:, :D] + gh[:, :D])
        z = jax.nn.sigmoid(gi[:, D:2 * D] + gh[:, D:2 * D])
        n = jnp.tanh(gi[:, 2 * D:] + r * gh[:, 2 * D:])
        o[...] = (1.0 - z) * n + z * xr[...]

    return pl.pallas_call(
        body,
        grid=grid,
        in_specs=[
            pl.BlockSpec((NC, BN, D), lambda i: (0, i, 0)),
            pl.BlockSpec((NC, BN, D), lambda i: (0, i, 0)),
            pl.BlockSpec((BN, D), lambda i: (i, 0)),
            pl.BlockSpec((D, D), lambda i: (0, 0)),
            pl.BlockSpec((D, D), lambda i: (0, 0)),
            pl.BlockSpec((D, 3 * D), lambda i: (0, 0)),
            pl.BlockSpec((D, 3 * D), lambda i: (0, 0)),
            pl.BlockSpec((1, 3 * D), lambda i: (0, 0)),
            pl.BlockSpec((1, 3 * D), lambda i: (0, 0)),
        ],
        out_specs=pl.BlockSpec((BN, D), lambda i: (i, 0)),
        out_shape=jax.ShapeDtypeStruct((N, D), jnp.float32),
    )(Ap, Egp, x, WxT, WeTp, WihT, WhhT, bih, bhh)


def kernel(x, edge_index, edge_attr, W_msg1, W_ih1, W_hh1, b_ih1, b_hh1,
           W_msg2, W_ih2, W_hh2, b_ih2, b_hh2):
    N, _ = x.shape
    ED = edge_attr.shape[1]
    src = edge_index[0]
    dst = edge_index[1]
    NP = NS * _seg_rows(N)

    ea_pad = jnp.pad(edge_attr, ((0, 0), (0, D - ED)))
    Egp = _sc_segsum(ea_pad, dst, N).reshape(NC, NP, D)

    def layer(h, W_msg, W_ih, W_hh, b_ih, b_hh):
        Ap = _sc_segsum(h, dst, N, src=src).reshape(NC, NP, D)
        WxT = W_msg[:, :D].T
        WeTp = jnp.pad(W_msg[:, D:].T, ((0, D - ED), (0, 0)))
        return _tc_gru(Ap, Egp, h, WxT, WeTp, W_ih.T, W_hh.T,
                       b_ih.reshape(1, -1), b_hh.reshape(1, -1))

    x1 = layer(x, W_msg1, W_ih1, W_hh1, b_ih1, b_hh1)
    x2 = layer(x1, W_msg2, W_ih2, W_hh2, b_ih2, b_hh2)
    return x2

# --- scband reference (transcript-rebuilt; emitter-appended) ---
"""Pipeline reference for scband-atom-dmpnn-20469814133012 (READ-ONLY COPY).

The authoritative reference and input builder live on the scoring server;
editing this copy changes nothing except your own understanding.
"""

import jax, jax.numpy as jnp
import numpy as np

N = 10000
E = 320000
D = 128
ED = 16


def setup_inputs(seed: int = 0) -> dict:
    key = jax.random.key(seed)
    ks = jax.random.split(key, 16)
    x = jax.random.normal(ks[0], (N, D), dtype=jnp.float32)
    edge_index = jax.random.randint(ks[1], (2, E), 0, N, dtype=jnp.int32)
    edge_attr = jax.random.normal(ks[2], (E, ED), dtype=jnp.float32)
    s_msg = 1.0 / np.sqrt(D + ED)
    s_gru = 1.0 / np.sqrt(D)
    params = {}
    for li, base in [(1, 3), (2, 9)]:
        params[f"W_msg{li}"] = jax.random.uniform(ks[base + 0], (D, D + ED), minval=-s_msg, maxval=s_msg, dtype=jnp.float32)
        params[f"W_ih{li}"] = jax.random.uniform(ks[base + 1], (3 * D, D), minval=-s_gru, maxval=s_gru, dtype=jnp.float32)
        params[f"W_hh{li}"] = jax.random.uniform(ks[base + 2], (3 * D, D), minval=-s_gru, maxval=s_gru, dtype=jnp.float32)
        params[f"b_ih{li}"] = jax.random.uniform(ks[base + 3], (3 * D,), minval=-s_gru, maxval=s_gru, dtype=jnp.float32)
        params[f"b_hh{li}"] = jax.random.uniform(ks[base + 4], (3 * D,), minval=-s_gru, maxval=s_gru, dtype=jnp.float32)
    return {"x": x, "edge_index": edge_index, "edge_attr": edge_attr, **params}


def _gru_cell(m, h, W_ih, W_hh, b_ih, b_hh):
    gi = m @ W_ih.T + b_ih
    gh = h @ W_hh.T + b_hh
    i_r, i_z, i_n = jnp.split(gi, 3, axis=-1)
    h_r, h_z, h_n = jnp.split(gh, 3, axis=-1)
    r = jax.nn.sigmoid(i_r + h_r)
    z = jax.nn.sigmoid(i_z + h_z)
    n = jnp.tanh(i_n + r * h_n)
    return (1.0 - z) * n + z * h


def _dmpnn_layer(x, edge_index, edge_attr, W_msg, W_ih, W_hh, b_ih, b_hh):
    src = edge_index[0]
    dst = edge_index[1]
    x_j = jnp.take(x, src, axis=0)
    msg = jnp.concatenate([x_j, edge_attr], axis=-1) @ W_msg.T
    m = jax.ops.segment_sum(msg, dst, num_segments=x.shape[0])
    return _gru_cell(m, x, W_ih, W_hh, b_ih, b_hh)


def reference(x, edge_index, edge_attr, W_msg1, W_ih1, W_hh1, b_ih1, b_hh1, W_msg2, W_ih2, W_hh2, b_ih2, b_hh2):
    x = _dmpnn_layer(x, edge_index, edge_attr, W_msg1, W_ih1, W_hh1, b_ih1, b_hh1)
    x = _dmpnn_layer(x, edge_index, edge_attr, W_msg2, W_ih2, W_hh2, b_ih2, b_hh2)
    return x

if __name__ == "__main__":
    import jax
    _d = setup_inputs()
    print(jax.jit(kernel)(*tuple(_d.values())))

</pallas_src>

<mosaic_0001>
#map = affine_map<(d0, d1) -> (0, 0)>
#map1 = affine_map<(d0, d1) -> (0)>
module attributes {stable_mosaic.version = 14 : i64} {
  func.func @body(%arg0: i32, %arg1: i32, %arg2: memref<10000x128xf32, #tpu.memory_space<hbm>>, %arg3: memref<320000xi32, #tpu.memory_space<hbm>>, %arg4: memref<320000xi32, #tpu.memory_space<hbm>>, %arg5: memref<20480x128xf32, #tpu.memory_space<hbm>>, %arg6: memref<10240x128xf32, #tpu.memory_space<vmem_shared>>, %arg7: memref<80xi32, #tpu.memory_space<vmem>>, %arg8: memref<80xi32, #tpu.memory_space<vmem>>, %arg9: memref<80x128xf32, #tpu.memory_space<vmem>>, %arg10: memref<64x128xf32, #tpu.memory_space<vmem>>, %arg11: memref<!tpu.dma_semaphore, #tpu.memory_space<semaphore_mem>>) attributes {dimension_semantics = [#tpu.dimension_semantics<core_parallel>, #tpu.dimension_semantics<subcore_parallel>], iteration_bounds = array<i64: 2, 16>, scalar_prefetch = 0 : i64, scratch_operands = 6 : i64, tpu.core_type = #tpu.core_type<sc_vector_subcore>, window_params = [{transform_indices = #map}, {transform_indices = #map1}, {transform_indices = #map1}, {transform_indices = #map}]} {
    %mul3A = arith.constant 640 : i32
    %mul3A_0 = arith.muli %arg1, %mul3A : i32
    %multiple_of3A = tpu.assume_multiple %mul3A_0, 8 : i32
    %broadcast_in_dim3A = arith.constant 0.000000e+00 : f32
    %broadcast_in_dim3A_1 = vector.broadcast %broadcast_in_dim3A : f32 to vector<16xf32>
    %scan3A = arith.constant 0 : i32
    %scan3A_2 = arith.constant 0 : i32
    %scan3A_3 = arith.constant 64 : i32
    %scan3A_4 = arith.addi %scan3A_2, %scan3A_3 : i32
    %scan3A_5 = arith.constant 1 : i32
    scf.for %scan3A_34 = %scan3A_2 to %scan3A_4 step %scan3A_5  : i32 {
      %swap3A = arith.index_cast %scan3A_34 : i32 to index
      %swap3A_35 = arith.constant 0 : index
      %swap3A_36 = tpu.vector_load %arg10[%swap3A, %swap3A_35] {strides = array<i32>} : memref<64x128xf32, #tpu.memory_space<vmem>>, vector<1x16xf32>,
      %swap3A_37 = vector.shape_cast %swap3A_36 : vector<1x16xf32> to vector<16xf32>
      %swap3A_38 = vector.shape_cast %broadcast_in_dim3A_1 : vector<16xf32> to vector<1x16xf32>
      tpu.vector_store %arg10[%swap3A, %swap3A_35], %swap3A_38 {strides = array<i32>} : memref<64x128xf32, #tpu.memory_space<vmem>>, vector<1x16xf32>,
      %swap3A_39 = arith.index_cast %scan3A_34 : i32 to index
      %swap3A_40 = arith.constant 16 : index
      %swap3A_41 = tpu.vector_load %arg10[%swap3A_39, %swap3A_40] {strides = array<i32>} : memref<64x128xf32, #tpu.memory_space<vmem>>, vector<1x16xf32>,
      %swap3A_42 = vector.shape_cast %swap3A_41 : vector<1x16xf32> to vector<16xf32>
      %swap3A_43 = vector.shape_cast %broadcast_in_dim3A_1 : vector<16xf32> to vector<1x16xf32>
      tpu.vector_store %arg10[%swap3A_39, %swap3A_40], %swap3A_43 {strides = array<i32>} : memref<64x128xf32, #tpu.memory_space<vmem>>, vector<1x16xf32>,
      %swap3A_44 = arith.index_cast %scan3A_34 : i32 to index
      %swap3A_45 = arith.constant 32 : index
      %swap3A_46 = tpu.vector_load %arg10[%swap3A_44, %swap3A_45] {strides = array<i32>} : memref<64x128xf32, #tpu.memory_space<vmem>>, vector<1x16xf32>,
      %swap3A_47 = vector.shape_cast %swap3A_46 : vector<1x16xf32> to vector<16xf32>
      %swap3A_48 = vector.shape_cast %broadcast_in_dim3A_1 : vector<16xf32> to vector<1x16xf32>
      tpu.vector_store %arg10[%swap3A_44, %swap3A_45], %swap3A_48 {strides = array<i32>} : memref<64x128xf32, #tpu.memory_space<vmem>>, vector<1x16xf32>,
      %swap3A_49 = arith.index_cast %scan3A_34 : i32 to index
      %swap3A_50 = arith.constant 48 : index
      %swap3A_51 = tpu.vector_load %arg10[%swap3A_49, %swap3A_50] {strides = array<i32>} : memref<64x128xf32, #tpu.memory_space<vmem>>, vector<1x16xf32>,
      %swap3A_52 = vector.shape_cast %swap3A_51 : vector<1x16xf32> to vector<16xf32>
      %swap3A_53 = vector.shape_cast %broadcast_in_dim3A_1 : vector<16xf32> to vector<1x16xf32>
      tpu.vector_store %arg10[%swap3A_49, %swap3A_50], %swap3A_53 {strides = array<i32>} : memref<64x128xf32, #tpu.memory_space<vmem>>, vector<1x16xf32>,
      %swap3A_54 = arith.index_cast %scan3A_34 : i32 to index
      %swap3A_55 = arith.constant 64 : index
      %swap3A_56 = tpu.vector_load %arg10[%swap3A_54, %swap3A_55] {strides = array<i32>} : memref<64x128xf32, #tpu.memory_space<vmem>>, vector<1x16xf32>,
      %swap3A_57 = vector.shape_cast %swap3A_56 : vector<1x16xf32> to vector<16xf32>
      %swap3A_58 = vector.shape_cast %broadcast_in_dim3A_1 : vector<16xf32> to vector<1x16xf32>
      tpu.vector_store %arg10[%swap3A_54, %swap3A_55], %swap3A_58 {strides = array<i32>} : memref<64x128xf32, #tpu.memory_space<vmem>>, vector<1x16xf32>,
      %swap3A_59 = arith.index_cast %scan3A_34 : i32 to index
      %swap3A_60 = arith.constant 80 : index
      %swap3A_61 = tpu.vector_load %arg10[%swap3A_59, %swap3A_60] {strides = array<i32>} : memref<64x128xf32, #tpu.memory_space<vmem>>, vector<1x16xf32>,
      %swap3A_62 = vector.shape_cast %swap3A_61 : vector<1x16xf32> to vector<16xf32>
      %swap3A_63 = vector.shape_cast %broadcast_in_dim3A_1 : vector<16xf32> to vector<1x16xf32>
      tpu.vector_store %arg10[%swap3A_59, %swap3A_60], %swap3A_63 {strides = array<i32>} : memref<64x128xf32, #tpu.memory_space<vmem>>, vector<1x16xf32>,
      %swap3A_64 = arith.index_cast %scan3A_34 : i32 to index
      %swap3A_65 = arith.constant 96 : index
      %swap3A_66 = tpu.vector_load %arg10[%swap3A_64, %swap3A_65] {strides = array<i32>} : memref<64x128xf32, #tpu.memory_space<vmem>>, vector<1x16xf32>,
      %swap3A_67 = vector.shape_cast %swap3A_66 : vector<1x16xf32> to vector<16xf32>
      %swap3A_68 = vector.shape_cast %broadcast_in_dim3A_1 : vector<16xf32> to vector<1x16xf32>
      tpu.vector_store %arg10[%swap3A_64, %swap3A_65], %swap3A_68 {strides = array<i32>} : memref<64x128xf32, #tpu.memory_space<vmem>>, vector<1x16xf32>,
      %swap3A_69 = arith.index_cast %scan3A_34 : i32 to index
      %swap3A_70 = arith.constant 112 : index
      %swap3A_71 = tpu.vector_load %arg10[%swap3A_69, %swap3A_70] {strides = array<i32>} : memref<64x128xf32, #tpu.memory_space<vmem>>, vector<1x16xf32>,
      %swap3A_72 = vector.shape_cast %swap3A_71 : vector<1x16xf32> to vector<16xf32>
      %swap3A_73 = vector.shape_cast %broadcast_in_dim3A_1 : vector<16xf32> to vector<1x16xf32>
      tpu.vector_store %arg10[%swap3A_69, %swap3A_70], %swap3A_73 {strides = array<i32>} : memref<64x128xf32, #tpu.memory_space<vmem>>, vector<1x16xf32>,
    }
    %scan3A_6 = arith.constant 64 : i32
    %scan3A_7 = arith.constant 0 : i32
    %scan3A_8 = arith.constant 0 : i32
    %scan3A_9 = arith.constant 10 : i32
    %scan3A_10 = arith.addi %scan3A_8, %scan3A_9 : i32
    %scan3A_11 = arith.constant 1 : i32
    scf.for %scan3A_34 = %scan3A_8 to %scan3A_10 step %scan3A_11  : i32 {
      %mul3A_35 = arith.constant 64 : i32
      %mul3A_36 = arith.muli %scan3A_34, %mul3A_35 : i32
      %add3A_37 = arith.addi %multiple_of3A, %mul3A_36 : i32
      %multiple_of3A_38 = tpu.assume_multiple %add3A_37, 8 : i32
      "tpu.region"() ({
        %run_scoped3A = tpu.sem_alloc : memref<!tpu.dma_semaphore, #tpu.memory_space<semaphore_mem>>
        %dma_start3A = arith.constant 0 : i32
        %dma_start3A_39 = tpu.memref_slice %arg6[%multiple_of3A_38, %dma_start3A] : memref<10240x128xf32, #tpu.memory_space<vmem_shared>> -> memref<64x128xf32, #tpu.memory_space<vmem_shared>>
        %dma_start3A_40 = arith.constant 0 : i32
        %dma_start3A_41 = tpu.memref_slice %arg6[%multiple_of3A_38, %dma_start3A_40] : memref<10240x128xf32, #tpu.memory_space<vmem_shared>> -> memref<64x128xf32, #tpu.memory_space<vmem_shared>>
        tpu.enqueue_dma source(%arg10 : memref<64x128xf32, #tpu.memory_space<vmem>>) target(%dma_start3A_41 : memref<64x128xf32, #tpu.memory_space<vmem_shared>>) target_semaphore(%run_scoped3A : memref<!tpu.dma_semaphore, #tpu.memory_space<semaphore_mem>>)
        %dma_wait3A = arith.constant 0 : i32
        %dma_wait3A_42 = tpu.memref_slice %arg6[%multiple_of3A_38, %dma_wait3A] : memref<10240x128xf32, #tpu.memory_space<vmem_shared>> -> memref<64x128xf32, #tpu.memory_space<vmem_shared>>
        %dma_wait3A_43 = arith.constant 0 : i32
        %dma_wait3A_44 = tpu.memref_slice %arg6[%multiple_of3A_38, %dma_wait3A_43] : memref<10240x128xf32, #tpu.memory_space<vmem_shared>> -> memref<64x128xf32, #tpu.memory_space<vmem_shared>>
        tpu.wait_dma2 semaphore(%run_scoped3A : memref<!tpu.dma_semaphore, #tpu.memory_space<semaphore_mem>>) src(%arg10 : memref<64x128xf32, #tpu.memory_space<vmem>>) dst(%dma_wait3A_44 : memref<64x128xf32, #tpu.memory_space<vmem_shared>>)
        tpu.yield
      }) : () -> ()
    }
    %scan3A_12 = arith.constant 10 : i32
    %barrier3A = arith.constant 0 : index
    tpu.barrier barrier_id(%barrier3A)
    %mul3A_13 = arith.constant 16 : i32
    %mul3A_14 = arith.muli %arg0, %mul3A_13 : i32
    %add3A = arith.addi %mul3A_14, %arg1 : i32
    %mul3A_15 = arith.constant 10000 : i32
    %mul3A_16 = arith.muli %add3A, %mul3A_15 : i32
    %scan3A_17 = arith.constant 0 : i32
    %scan3A_18 = arith.constant 0 : i32
    %scan3A_19 = arith.constant 125 : i32
    %scan3A_20 = arith.addi %scan3A_18, %scan3A_19 : i32
    %scan3A_21 = arith.constant 1 : i32
    scf.for %scan3A_34 = %scan3A_18 to %scan3A_20 step %scan3A_21  : i32 {
      %mul3A_35 = arith.constant 80 : i32
      %mul3A_36 = arith.muli %scan3A_34, %mul3A_35 : i32
      %add3A_37 = arith.addi %mul3A_16, %mul3A_36 : i32
      %multiple_of3A_38 = tpu.assume_multiple %add3A_37, 8 : i32
      "tpu.region"() ({
        %run_scoped3A = tpu.sem_alloc : memref<!tpu.dma_semaphore, #tpu.memory_space<semaphore_mem>>
        %dma_start3A_43 = tpu.memref_slice %arg4[%multiple_of3A_38] : memref<320000xi32, #tpu.memory_space<hbm>> -> memref<80xi32, #tpu.memory_space<hbm>>
        %dma_start3A_44 = tpu.memref_slice %arg4[%multiple_of3A_38] : memref<320000xi32, #tpu.memory_space<hbm>> -> memref<80xi32, #tpu.memory_space<hbm>>
        tpu.enqueue_dma source(%dma_start3A_44 : memref<80xi32, #tpu.memory_space<hbm>>) target(%arg8 : memref<80xi32, #tpu.memory_space<vmem>>) target_semaphore(%run_scoped3A : memref<!tpu.dma_semaphore, #tpu.memory_space<semaphore_mem>>)
        %dma_wait3A_45 = tpu.memref_slice %arg4[%multiple_of3A_38] : memref<320000xi32, #tpu.memory_space<hbm>> -> memref<80xi32, #tpu.memory_space<hbm>>
        %dma_wait3A_46 = tpu.memref_slice %arg4[%multiple_of3A_38] : memref<320000xi32, #tpu.memory_space<hbm>> -> memref<80xi32, #tpu.memory_space<hbm>>
        tpu.wait_dma2 semaphore(%run_scoped3A : memref<!tpu.dma_semaphore, #tpu.memory_space<semaphore_mem>>) src(%dma_wait3A_46 : memref<80xi32, #tpu.memory_space<hbm>>) dst(%arg8 : memref<80xi32, #tpu.memory_space<vmem>>)
        tpu.yield
      }) : () -> ()
      "tpu.region"() ({
        %run_scoped3A = tpu.sem_alloc : memref<!tpu.dma_semaphore, #tpu.memory_space<semaphore_mem>>
        %dma_start3A_43 = tpu.memref_slice %arg3[%multiple_of3A_38] : memref<320000xi32, #tpu.memory_space<hbm>> -> memref<80xi32, #tpu.memory_space<hbm>>
        %dma_start3A_44 = tpu.memref_slice %arg3[%multiple_of3A_38] : memref<320000xi32, #tpu.memory_space<hbm>> -> memref<80xi32, #tpu.memory_space<hbm>>
        tpu.enqueue_dma source(%dma_start3A_44 : memref<80xi32, #tpu.memory_space<hbm>>) target(%arg7 : memref<80xi32, #tpu.memory_space<vmem>>) target_semaphore(%run_scoped3A : memref<!tpu.dma_semaphore, #tpu.memory_space<semaphore_mem>>)
        %dma_wait3A_45 = tpu.memref_slice %arg3[%multiple_of3A_38] : memref<320000xi32, #tpu.memory_space<hbm>> -> memref<80xi32, #tpu.memory_space<hbm>>
        %dma_wait3A_46 = tpu.memref_slice %arg3[%multiple_of3A_38] : memref<320000xi32, #tpu.memory_space<hbm>> -> memref<80xi32, #tpu.memory_space<hbm>>
        tpu.wait_dma2 semaphore(%run_scoped3A : memref<!tpu.dma_semaphore, #tpu.memory_space<semaphore_mem>>) src(%dma_wait3A_46 : memref<80xi32, #tpu.memory_space<hbm>>) dst(%arg7 : memref<80xi32, #tpu.memory_space<vmem>>)
        tpu.yield
      }) : () -> ()
      %dma_start3A = arith.constant 0 : i32
      %dma_start3A_39 = arith.constant 0 : i32
      %dma_start3A_40 = tpu.memref_slice %arg2[%dma_start3A, %dma_start3A_39] : memref<10000x128xf32, #tpu.memory_space<hbm>> -> memref<10000x128xf32, #tpu.memory_space<hbm>>
      tpu.enqueue_indirect_dma source(%dma_start3A_40 : memref<10000x128xf32, #tpu.memory_space<hbm>>) target(%arg9 : memref<80x128xf32, #tpu.memory_space<vmem>>) offsets(%arg7 : memref<80xi32, #tpu.memory_space<vmem>>) semaphore(%arg11 : memref<!tpu.dma_semaphore, #tpu.memory_space<semaphore_mem>>)
      %dma_wait3A = arith.constant 0 : i32
      %dma_wait3A_41 = arith.constant 0 : i32
      %dma_wait3A_42 = tpu.memref_slice %arg2[%dma_wait3A, %dma_wait3A_41] : memref<10000x128xf32, #tpu.memory_space<hbm>> -> memref<10000x128xf32, #tpu.memory_space<hbm>>
      tpu.wait_indirect_dma semaphore(%arg11 : memref<!tpu.dma_semaphore, #tpu.memory_space<semaphore_mem>>) src(%dma_wait3A_42 : memref<10000x128xf32, #tpu.memory_space<hbm>>) dst(%arg9 : memref<80x128xf32, #tpu.memory_space<vmem>>)
      "tpu.region"() ({
        %run_scoped3A = tpu.sem_alloc : memref<!tpu.dma_semaphore, #tpu.memory_space<semaphore_mem>>
        %dma_start3A_43 = arith.constant 0 : i32
        %dma_start3A_44 = arith.constant 0 : i32
        %dma_start3A_45 = tpu.memref_slice %arg6[%dma_start3A_43, %dma_start3A_44] : memref<10240x128xf32, #tpu.memory_space<vmem_shared>> -> memref<10240x128xf32, #tpu.memory_space<vmem_shared>>
        tpu.enqueue_indirect_dma source(%arg9 : memref<80x128xf32, #tpu.memory_space<vmem>>) target(%dma_start3A_45 : memref<10240x128xf32, #tpu.memory_space<vmem_shared>>) offsets(%arg8 : memref<80xi32, #tpu.memory_space<vmem>>) semaphore(%run_scoped3A : memref<!tpu.dma_semaphore, #tpu.memory_space<semaphore_mem>>) {add = true}
        %dma_wait3A_46 = arith.constant 0 : i32
        %dma_wait3A_47 = arith.constant 0 : i32
        %dma_wait3A_48 = tpu.memref_slice %arg6[%dma_wait3A_46, %dma_wait3A_47] : memref<10240x128xf32, #tpu.memory_space<vmem_shared>> -> memref<10240x128xf32, #tpu.memory_space<vmem_shared>>
        tpu.wait_indirect_dma semaphore(%run_scoped3A : memref<!tpu.dma_semaphore, #tpu.memory_space<semaphore_mem>>) src(%arg9 : memref<80x128xf32, #tpu.memory_space<vmem>>) dst(%dma_wait3A_48 : memref<10240x128xf32, #tpu.memory_space<vmem_shared>>)
        tpu.yield
      }) : () -> ()
    }
    %scan3A_22 = arith.constant 125 : i32
    %barrier3A_23 = arith.constant 0 : index
    tpu.barrier barrier_id(%barrier3A_23)
    %mul3A_24 = arith.constant 10240 : i32
    %mul3A_25 = arith.muli %arg0, %mul3A_24 : i32
    %add3A_26 = arith.addi %mul3A_25, %multiple_of3A : i32
    %multiple_of3A_27 = tpu.assume_multiple %add3A_26, 8 : i32
    %scan3A_28 = arith.constant 0 : i32
    %scan3A_29 = arith.constant 0 : i32
    %scan3A_30 = arith.constant 10 : i32
    %scan3A_31 = arith.addi %scan3A_29, %scan3A_30 : i32
    %scan3A_32 = arith.constant 1 : i32
    scf.for %scan3A_34 = %scan3A_29 to %scan3A_31 step %scan3A_32  : i32 {
      %mul3A_35 = arith.constant 64 : i32
      %mul3A_36 = arith.muli %scan3A_34, %mul3A_35 : i32
      %add3A_37 = arith.addi %multiple_of3A, %mul3A_36 : i32
      %multiple_of3A_38 = tpu.assume_multiple %add3A_37, 8 : i32
      %mul3A_39 = arith.constant 64 : i32
      %mul3A_40 = arith.muli %scan3A_34, %mul3A_39 : i32
      %add3A_41 = arith.addi %multiple_of3A_27, %mul3A_40 : i32
      %multiple_of3A_42 = tpu.assume_multiple %add3A_41, 8 : i32
      "tpu.region"() ({
        %run_scoped3A = tpu.sem_alloc : memref<!tpu.dma_semaphore, #tpu.memory_space<semaphore_mem>>
        %dma_start3A = arith.constant 0 : i32
        %dma_start3A_43 = tpu.memref_slice %arg6[%multiple_of3A_38, %dma_start3A] : memref<10240x128xf32, #tpu.memory_space<vmem_shared>> -> memref<64x128xf32, #tpu.memory_space<vmem_shared>>
        %dma_start3A_44 = arith.constant 0 : i32
        %dma_start3A_45 = tpu.memref_slice %arg6[%multiple_of3A_38, %dma_start3A_44] : memref<10240x128xf32, #tpu.memory_space<vmem_shared>> -> memref<64x128xf32, #tpu.memory_space<vmem_shared>>
        tpu.enqueue_dma source(%dma_start3A_45 : memref<64x128xf32, #tpu.memory_space<vmem_shared>>) target(%arg10 : memref<64x128xf32, #tpu.memory_space<vmem>>) target_semaphore(%run_scoped3A : memref<!tpu.dma_semaphore, #tpu.memory_space<semaphore_mem>>)
        %dma_wait3A = arith.constant 0 : i32
        %dma_wait3A_46 = tpu.memref_slice %arg6[%multiple_of3A_38, %dma_wait3A] : memref<10240x128xf32, #tpu.memory_space<vmem_shared>> -> memref<64x128xf32, #tpu.memory_space<vmem_shared>>
        %dma_wait3A_47 = arith.constant 0 : i32
        %dma_wait3A_48 = tpu.memref_slice %arg6[%multiple_of3A_38, %dma_wait3A_47] : memref<10240x128xf32, #tpu.memory_space<vmem_shared>> -> memref<64x128xf32, #tpu.memory_space<vmem_shared>>
        tpu.wait_dma2 semaphore(%run_scoped3A : memref<!tpu.dma_semaphore, #tpu.memory_space<semaphore_mem>>) src(%dma_wait3A_48 : memref<64x128xf32, #tpu.memory_space<vmem_shared>>) dst(%arg10 : memref<64x128xf32, #tpu.memory_space<vmem>>)
        tpu.yield
      }) : () -> ()
      "tpu.region"() ({
        %run_scoped3A = tpu.sem_alloc : memref<!tpu.dma_semaphore, #tpu.memory_space<semaphore_mem>>
        %dma_start3A = arith.constant 0 : i32
        %dma_start3A_43 = tpu.memref_slice %arg5[%multiple_of3A_42, %dma_start3A] : memref<20480x128xf32, #tpu.memory_space<hbm>> -> memref<64x128xf32, #tpu.memory_space<hbm>>
        %dma_start3A_44 = arith.constant 0 : i32
        %dma_start3A_45 = tpu.memref_slice %arg5[%multiple_of3A_42, %dma_start3A_44] : memref<20480x128xf32, #tpu.memory_space<hbm>> -> memref<64x128xf32, #tpu.memory_space<hbm>>
        tpu.enqueue_dma source(%arg10 : memref<64x128xf32, #tpu.memory_space<vmem>>) target(%dma_start3A_45 : memref<64x128xf32, #tpu.memory_space<hbm>>) target_semaphore(%run_scoped3A : memref<!tpu.dma_semaphore, #tpu.memory_space<semaphore_mem>>)
        %dma_wait3A = arith.constant 0 : i32
        %dma_wait3A_46 = tpu.memref_slice %arg5[%multiple_of3A_42, %dma_wait3A] : memref<20480x128xf32, #tpu.memory_space<hbm>> -> memref<64x128xf32, #tpu.memory_space<hbm>>
        %dma_wait3A_47 = arith.constant 0 : i32
        %dma_wait3A_48 = tpu.memref_slice %arg5[%multiple_of3A_42, %dma_wait3A_47] : memref<20480x128xf32, #tpu.memory_space<hbm>> -> memref<64x128xf32, #tpu.memory_space<hbm>>
        tpu.wait_dma2 semaphore(%run_scoped3A : memref<!tpu.dma_semaphore, #tpu.memory_space<semaphore_mem>>) src(%arg10 : memref<64x128xf32, #tpu.memory_space<vmem>>) dst(%dma_wait3A_48 : memref<64x128xf32, #tpu.memory_space<hbm>>)
        tpu.yield
      }) : () -> ()
    }
    %scan3A_33 = arith.constant 10 : i32
    return
  }
}

#map = affine_map<(d0, d1) -> (0, 0)>
#map1 = affine_map<(d0, d1) -> (0)>
module attributes {stable_mosaic.version = 14 : i64} {
  func.func @body(%arg0: i32, %arg1: i32, %arg2: memref<10000x128xf32, #tpu.memory_space<hbm>>, %arg3: memref<320000xi32, #tpu.memory_space<hbm>>, %arg4: memref<320000xi32, #tpu.memory_space<hbm>>, %arg5: memref<20480x128xf32, #tpu.memory_space<hbm>>, %arg6: memref<10240x128xf32, #tpu.memory_space<vmem_shared>>, %arg7: memref<80xi32, #tpu.memory_space<vmem>>, %arg8: memref<80xi32, #tpu.memory_space<vmem>>, %arg9: memref<80x128xf32, #tpu.memory_space<vmem>>, %arg10: memref<64x128xf32, #tpu.memory_space<vmem>>, %arg11: memref<!tpu.dma_semaphore, #tpu.memory_space<semaphore_mem>>) attributes {dimension_semantics = [#tpu.dimension_semantics<core_parallel>, #tpu.dimension_semantics<subcore_parallel>], iteration_bounds = array<i64: 2, 16>, scalar_prefetch = 0 : i64, scratch_operands = 6 : i64, tpu.core_type = #tpu.core_type<sc_vector_subcore>, window_params = [{transform_indices = #map}, {transform_indices = #map1}, {transform_indices = #map1}, {transform_indices = #map}]} {
    %mul3A = arith.constant 640 : i32
    %mul3A_0 = arith.muli %arg1, %mul3A : i32
    %multiple_of3A = tpu.assume_multiple %mul3A_0, 8 : i32
    %broadcast_in_dim3A = arith.constant 0.000000e+00 : f32
    %broadcast_in_dim3A_1 = vector.broadcast %broadcast_in_dim3A : f32 to vector<16xf32>
    %scan3A = arith.constant 0 : i32
    %scan3A_2 = arith.constant 0 : i32
    %scan3A_3 = arith.constant 64 : i32
    %scan3A_4 = arith.addi %scan3A_2, %scan3A_3 : i32
    %scan3A_5 = arith.constant 1 : i32
    scf.for %scan3A_34 = %scan3A_2 to %scan3A_4 step %scan3A_5  : i32 {
      %swap3A = arith.index_cast %scan3A_34 : i32 to index
      %swap3A_35 = arith.constant 0 : index
      %swap3A_36 = tpu.vector_load %arg10[%swap3A, %swap3A_35] {strides = array<i32>} : memref<64x128xf32, #tpu.memory_space<vmem>>, vector<1x16xf32>,
      %swap3A_37 = vector.shape_cast %swap3A_36 : vector<1x16xf32> to vector<16xf32>
      %swap3A_38 = vector.shape_cast %broadcast_in_dim3A_1 : vector<16xf32> to vector<1x16xf32>
      tpu.vector_store %arg10[%swap3A, %swap3A_35], %swap3A_38 {strides = array<i32>} : memref<64x128xf32, #tpu.memory_space<vmem>>, vector<1x16xf32>,
      %swap3A_39 = arith.index_cast %scan3A_34 : i32 to index
      %swap3A_40 = arith.constant 16 : index
      %swap3A_41 = tpu.vector_load %arg10[%swap3A_39, %swap3A_40] {strides = array<i32>} : memref<64x128xf32, #tpu.memory_space<vmem>>, vector<1x16xf32>,
      %swap3A_42 = vector.shape_cast %swap3A_41 : vector<1x16xf32> to vector<16xf32>
      %swap3A_43 = vector.shape_cast %broadcast_in_dim3A_1 : vector<16xf32> to vector<1x16xf32>
      tpu.vector_store %arg10[%swap3A_39, %swap3A_40], %swap3A_43 {strides = array<i32>} : memref<64x128xf32, #tpu.memory_space<vmem>>, vector<1x16xf32>,
      %swap3A_44 = arith.index_cast %scan3A_34 : i32 to index
      %swap3A_45 = arith.constant 32 : index
      %swap3A_46 = tpu.vector_load %arg10[%swap3A_44, %swap3A_45] {strides = array<i32>} : memref<64x128xf32, #tpu.memory_space<vmem>>, vector<1x16xf32>,
      %swap3A_47 = vector.shape_cast %swap3A_46 : vector<1x16xf32> to vector<16xf32>
      %swap3A_48 = vector.shape_cast %broadcast_in_dim3A_1 : vector<16xf32> to vector<1x16xf32>
      tpu.vector_store %arg10[%swap3A_44, %swap3A_45], %swap3A_48 {strides = array<i32>} : memref<64x128xf32, #tpu.memory_space<vmem>>, vector<1x16xf32>,
      %swap3A_49 = arith.index_cast %scan3A_34 : i32 to index
      %swap3A_50 = arith.constant 48 : index
      %swap3A_51 = tpu.vector_load %arg10[%swap3A_49, %swap3A_50] {strides = array<i32>} : memref<64x128xf32, #tpu.memory_space<vmem>>, vector<1x16xf32>,
      %swap3A_52 = vector.shape_cast %swap3A_51 : vector<1x16xf32> to vector<16xf32>
      %swap3A_53 = vector.shape_cast %broadcast_in_dim3A_1 : vector<16xf32> to vector<1x16xf32>
      tpu.vector_store %arg10[%swap3A_49, %swap3A_50], %swap3A_53 {strides = array<i32>} : memref<64x128xf32, #tpu.memory_space<vmem>>, vector<1x16xf32>,
      %swap3A_54 = arith.index_cast %scan3A_34 : i32 to index
      %swap3A_55 = arith.constant 64 : index
      %swap3A_56 = tpu.vector_load %arg10[%swap3A_54, %swap3A_55] {strides = array<i32>} : memref<64x128xf32, #tpu.memory_space<vmem>>, vector<1x16xf32>,
      %swap3A_57 = vector.shape_cast %swap3A_56 : vector<1x16xf32> to vector<16xf32>
      %swap3A_58 = vector.shape_cast %broadcast_in_dim3A_1 : vector<16xf32> to vector<1x16xf32>
      tpu.vector_store %arg10[%swap3A_54, %swap3A_55], %swap3A_58 {strides = array<i32>} : memref<64x128xf32, #tpu.memory_space<vmem>>, vector<1x16xf32>,
      %swap3A_59 = arith.index_cast %scan3A_34 : i32 to index
      %swap3A_60 = arith.constant 80 : index
      %swap3A_61 = tpu.vector_load %arg10[%swap3A_59, %swap3A_60] {strides = array<i32>} : memref<64x128xf32, #tpu.memory_space<vmem>>, vector<1x16xf32>,
      %swap3A_62 = vector.shape_cast %swap3A_61 : vector<1x16xf32> to vector<16xf32>
      %swap3A_63 = vector.shape_cast %broadcast_in_dim3A_1 : vector<16xf32> to vector<1x16xf32>
      tpu.vector_store %arg10[%swap3A_59, %swap3A_60], %swap3A_63 {strides = array<i32>} : memref<64x128xf32, #tpu.memory_space<vmem>>, vector<1x16xf32>,
      %swap3A_64 = arith.index_cast %scan3A_34 : i32 to index
      %swap3A_65 = arith.constant 96 : index
      %swap3A_66 = tpu.vector_load %arg10[%swap3A_64, %swap3A_65] {strides = array<i32>} : memref<64x128xf32, #tpu.memory_space<vmem>>, vector<1x16xf32>,
      %swap3A_67 = vector.shape_cast %swap3A_66 : vector<1x16xf32> to vector<16xf32>
      %swap3A_68 = vector.shape_cast %broadcast_in_dim3A_1 : vector<16xf32> to vector<1x16xf32>
      tpu.vector_store %arg10[%swap3A_64, %swap3A_65], %swap3A_68 {strides = array<i32>} : memref<64x128xf32, #tpu.memory_space<vmem>>, vector<1x16xf32>,
      %swap3A_69 = arith.index_cast %scan3A_34 : i32 to index
      %swap3A_70 = arith.constant 112 : index
      %swap3A_71 = tpu.vector_load %arg10[%swap3A_69, %swap3A_70] {strides = array<i32>} : memref<64x128xf32, #tpu.memory_space<vmem>>, vector<1x16xf32>,
      %swap3A_72 = vector.shape_cast %swap3A_71 : vector<1x16xf32> to vector<16xf32>
      %swap3A_73 = vector.shape_cast %broadcast_in_dim3A_1 : vector<16xf32> to vector<1x16xf32>
      tpu.vector_store %arg10[%swap3A_69, %swap3A_70], %swap3A_73 {strides = array<i32>} : memref<64x128xf32, #tpu.memory_space<vmem>>, vector<1x16xf32>,
    }
    %scan3A_6 = arith.constant 64 : i32
    %scan3A_7 = arith.constant 0 : i32
    %scan3A_8 = arith.constant 0 : i32
    %scan3A_9 = arith.constant 10 : i32
    %scan3A_10 = arith.addi %scan3A_8, %scan3A_9 : i32
    %scan3A_11 = arith.constant 1 : i32
    scf.for %scan3A_34 = %scan3A_8 to %scan3A_10 step %scan3A_11  : i32 {
      %mul3A_35 = arith.constant 64 : i32
      %mul3A_36 = arith.muli %scan3A_34, %mul3A_35 : i32
      %add3A_37 = arith.addi %multiple_of3A, %mul3A_36 : i32
      %multiple_of3A_38 = tpu.assume_multiple %add3A_37, 8 : i32
      "tpu.region"() ({
        %run_scoped3A = tpu.sem_alloc : memref<!tpu.dma_semaphore, #tpu.memory_space<semaphore_mem>>
        %dma_start3A = arith.constant 0 : i32
        %dma_start3A_39 = tpu.memref_slice %arg6[%multiple_of3A_38, %dma_start3A] : memref<10240x128xf32, #tpu.memory_space<vmem_shared>> -> memref<64x128xf32, #tpu.memory_space<vmem_shared>>
        %dma_start3A_40 = arith.constant 0 : i32
        %dma_start3A_41 = tpu.memref_slice %arg6[%multiple_of3A_38, %dma_start3A_40] : memref<10240x128xf32, #tpu.memory_space<vmem_shared>> -> memref<64x128xf32, #tpu.memory_space<vmem_shared>>
        tpu.enqueue_dma source(%arg10 : memref<64x128xf32, #tpu.memory_space<vmem>>) target(%dma_start3A_41 : memref<64x128xf32, #tpu.memory_space<vmem_shared>>) target_semaphore(%run_scoped3A : memref<!tpu.dma_semaphore, #tpu.memory_space<semaphore_mem>>)
        %dma_wait3A = arith.constant 0 : i32
        %dma_wait3A_42 = tpu.memref_slice %arg6[%multiple_of3A_38, %dma_wait3A] : memref<10240x128xf32, #tpu.memory_space<vmem_shared>> -> memref<64x128xf32, #tpu.memory_space<vmem_shared>>
        %dma_wait3A_43 = arith.constant 0 : i32
        %dma_wait3A_44 = tpu.memref_slice %arg6[%multiple_of3A_38, %dma_wait3A_43] : memref<10240x128xf32, #tpu.memory_space<vmem_shared>> -> memref<64x128xf32, #tpu.memory_space<vmem_shared>>
        tpu.wait_dma2 semaphore(%run_scoped3A : memref<!tpu.dma_semaphore, #tpu.memory_space<semaphore_mem>>) src(%arg10 : memref<64x128xf32, #tpu.memory_space<vmem>>) dst(%dma_wait3A_44 : memref<64x128xf32, #tpu.memory_space<vmem_shared>>)
        tpu.yield
      }) : () -> ()
    }
    %scan3A_12 = arith.constant 10 : i32
    %barrier3A = arith.constant 0 : index
    tpu.barrier barrier_id(%barrier3A)
    %mul3A_13 = arith.constant 16 : i32
    %mul3A_14 = arith.muli %arg0, %mul3A_13 : i32
    %add3A = arith.addi %mul3A_14, %arg1 : i32
    %mul3A_15 = arith.constant 10000 : i32
    %mul3A_16 = arith.muli %add3A, %mul3A_15 : i32
    %scan3A_17 = arith.constant 0 : i32
    %scan3A_18 = arith.constant 0 : i32
    %scan3A_19 = arith.constant 125 : i32
    %scan3A_20 = arith.addi %scan3A_18, %scan3A_19 : i32
    %scan3A_21 = arith.constant 1 : i32
    scf.for %scan3A_34 = %scan3A_18 to %scan3A_20 step %scan3A_21  : i32 {
      %mul3A_35 = arith.constant 80 : i32
      %mul3A_36 = arith.muli %scan3A_34, %mul3A_35 : i32
      %add3A_37 = arith.addi %mul3A_16, %mul3A_36 : i32
      %multiple_of3A_38 = tpu.assume_multiple %add3A_37, 8 : i32
      "tpu.region"() ({
        %run_scoped3A = tpu.sem_alloc : memref<!tpu.dma_semaphore, #tpu.memory_space<semaphore_mem>>
        %dma_start3A_43 = tpu.memref_slice %arg4[%multiple_of3A_38] : memref<320000xi32, #tpu.memory_space<hbm>> -> memref<80xi32, #tpu.memory_space<hbm>>
        %dma_start3A_44 = tpu.memref_slice %arg4[%multiple_of3A_38] : memref<320000xi32, #tpu.memory_space<hbm>> -> memref<80xi32, #tpu.memory_space<hbm>>
        tpu.enqueue_dma source(%dma_start3A_44 : memref<80xi32, #tpu.memory_space<hbm>>) target(%arg8 : memref<80xi32, #tpu.memory_space<vmem>>) target_semaphore(%run_scoped3A : memref<!tpu.dma_semaphore, #tpu.memory_space<semaphore_mem>>)
        %dma_wait3A_45 = tpu.memref_slice %arg4[%multiple_of3A_38] : memref<320000xi32, #tpu.memory_space<hbm>> -> memref<80xi32, #tpu.memory_space<hbm>>
        %dma_wait3A_46 = tpu.memref_slice %arg4[%multiple_of3A_38] : memref<320000xi32, #tpu.memory_space<hbm>> -> memref<80xi32, #tpu.memory_space<hbm>>
        tpu.wait_dma2 semaphore(%run_scoped3A : memref<!tpu.dma_semaphore, #tpu.memory_space<semaphore_mem>>) src(%dma_wait3A_46 : memref<80xi32, #tpu.memory_space<hbm>>) dst(%arg8 : memref<80xi32, #tpu.memory_space<vmem>>)
        tpu.yield
      }) : () -> ()
      "tpu.region"() ({
        %run_scoped3A = tpu.sem_alloc : memref<!tpu.dma_semaphore, #tpu.memory_space<semaphore_mem>>
        %dma_start3A_43 = tpu.memref_slice %arg3[%multiple_of3A_38] : memref<320000xi32, #tpu.memory_space<hbm>> -> memref<80xi32, #tpu.memory_space<hbm>>
        %dma_start3A_44 = tpu.memref_slice %arg3[%multiple_of3A_38] : memref<320000xi32, #tpu.memory_space<hbm>> -> memref<80xi32, #tpu.memory_space<hbm>>
        tpu.enqueue_dma source(%dma_start3A_44 : memref<80xi32, #tpu.memory_space<hbm>>) target(%arg7 : memref<80xi32, #tpu.memory_space<vmem>>) target_semaphore(%run_scoped3A : memref<!tpu.dma_semaphore, #tpu.memory_space<semaphore_mem>>)
        %dma_wait3A_45 = tpu.memref_slice %arg3[%multiple_of3A_38] : memref<320000xi32, #tpu.memory_space<hbm>> -> memref<80xi32, #tpu.memory_space<hbm>>
        %dma_wait3A_46 = tpu.memref_slice %arg3[%multiple_of3A_38] : memref<320000xi32, #tpu.memory_space<hbm>> -> memref<80xi32, #tpu.memory_space<hbm>>
        tpu.wait_dma2 semaphore(%run_scoped3A : memref<!tpu.dma_semaphore, #tpu.memory_space<semaphore_mem>>) src(%dma_wait3A_46 : memref<80xi32, #tpu.memory_space<hbm>>) dst(%arg7 : memref<80xi32, #tpu.memory_space<vmem>>)
        tpu.yield
      }) : () -> ()
      %dma_start3A = arith.constant 0 : i32
      %dma_start3A_39 = arith.constant 0 : i32
      %dma_start3A_40 = tpu.memref_slice %arg2[%dma_start3A, %dma_start3A_39] : memref<10000x128xf32, #tpu.memory_space<hbm>> -> memref<10000x128xf32, #tpu.memory_space<hbm>>
      tpu.enqueue_indirect_dma source(%dma_start3A_40 : memref<10000x128xf32, #tpu.memory_space<hbm>>) target(%arg9 : memref<80x128xf32, #tpu.memory_space<vmem>>) offsets(%arg7 : memref<80xi32, #tpu.memory_space<vmem>>) semaphore(%arg11 : memref<!tpu.dma_semaphore, #tpu.memory_space<semaphore_mem>>)
      %dma_wait3A = arith.constant 0 : i32
      %dma_wait3A_41 = arith.constant 0 : i32
      %dma_wait3A_42 = tpu.memref_slice %arg2[%dma_wait3A, %dma_wait3A_41] : memref<10000x128xf32, #tpu.memory_space<hbm>> -> memref<10000x128xf32, #tpu.memory_space<hbm>>
      tpu.wait_indirect_dma semaphore(%arg11 : memref<!tpu.dma_semaphore, #tpu.memory_space<semaphore_mem>>) src(%dma_wait3A_42 : memref<10000x128xf32, #tpu.memory_space<hbm>>) dst(%arg9 : memref<80x128xf32, #tpu.memory_space<vmem>>)
      "tpu.region"() ({
        %run_scoped3A = tpu.sem_alloc : memref<!tpu.dma_semaphore, #tpu.memory_space<semaphore_mem>>
        %dma_start3A_43 = arith.constant 0 : i32
        %dma_start3A_44 = arith.constant 0 : i32
        %dma_start3A_45 = tpu.memref_slice %arg6[%dma_start3A_43, %dma_start3A_44] : memref<10240x128xf32, #tpu.memory_space<vmem_shared>> -> memref<10240x128xf32, #tpu.memory_space<vmem_shared>>
        tpu.enqueue_indirect_dma source(%arg9 : memref<80x128xf32, #tpu.memory_space<vmem>>) target(%dma_start3A_45 : memref<10240x128xf32, #tpu.memory_space<vmem_shared>>) offsets(%arg8 : memref<80xi32, #tpu.memory_space<vmem>>) semaphore(%run_scoped3A : memref<!tpu.dma_semaphore, #tpu.memory_space<semaphore_mem>>) {add = true}
        %dma_wait3A_46 = arith.constant 0 : i32
        %dma_wait3A_47 = arith.constant 0 : i32
        %dma_wait3A_48 = tpu.memref_slice %arg6[%dma_wait3A_46, %dma_wait3A_47] : memref<10240x128xf32, #tpu.memory_space<vmem_shared>> -> memref<10240x128xf32, #tpu.memory_space<vmem_shared>>
        tpu.wait_indirect_dma semaphore(%run_scoped3A : memref<!tpu.dma_semaphore, #tpu.memory_space<semaphore_mem>>) src(%arg9 : memref<80x128xf32, #tpu.memory_space<vmem>>) dst(%dma_wait3A_48 : memref<10240x128xf32, #tpu.memory_space<vmem_shared>>)
        tpu.yield
      }) : () -> ()
    }
    %scan3A_22 = arith.constant 125 : i32
    %barrier3A_23 = arith.constant 0 : index
    tpu.barrier barrier_id(%barrier3A_23)
    %mul3A_24 = arith.constant 10240 : i32
    %mul3A_25 = arith.muli %arg0, %mul3A_24 : i32
    %add3A_26 = arith.addi %mul3A_25, %multiple_of3A : i32
    %multiple_of3A_27 = tpu.assume_multiple %add3A_26, 8 : i32
    %scan3A_28 = arith.constant 0 : i32
    %scan3A_29 = arith.constant 0 : i32
    %scan3A_30 = arith.constant 10 : i32
    %scan3A_31 = arith.addi %scan3A_29, %scan3A_30 : i32
    %scan3A_32 = arith.constant 1 : i32
    scf.for %scan3A_34 = %scan3A_29 to %scan3A_31 step %scan3A_32  : i32 {
      %mul3A_35 = arith.constant 64 : i32
      %mul3A_36 = arith.muli %scan3A_34, %mul3A_35 : i32
      %add3A_37 = arith.addi %multiple_of3A, %mul3A_36 : i32
      %multiple_of3A_38 = tpu.assume_multiple %add3A_37, 8 : i32
      %mul3A_39 = arith.constant 64 : i32
      %mul3A_40 = arith.muli %scan3A_34, %mul3A_39 : i32
      %add3A_41 = arith.addi %multiple_of3A_27, %mul3A_40 : i32
      %multiple_of3A_42 = tpu.assume_multiple %add3A_41, 8 : i32
      "tpu.region"() ({
        %run_scoped3A = tpu.sem_alloc : memref<!tpu.dma_semaphore, #tpu.memory_space<semaphore_mem>>
        %dma_start3A = arith.constant 0 : i32
        %dma_start3A_43 = tpu.memref_slice %arg6[%multiple_of3A_38, %dma_start3A] : memref<10240x128xf32, #tpu.memory_space<vmem_shared>> -> memref<64x128xf32, #tpu.memory_space<vmem_shared>>
        %dma_start3A_44 = arith.constant 0 : i32
        %dma_start3A_45 = tpu.memref_slice %arg6[%multiple_of3A_38, %dma_start3A_44] : memref<10240x128xf32, #tpu.memory_space<vmem_shared>> -> memref<64x128xf32, #tpu.memory_space<vmem_shared>>
        tpu.enqueue_dma source(%dma_start3A_45 : memref<64x128xf32, #tpu.memory_space<vmem_shared>>) target(%arg10 : memref<64x128xf32, #tpu.memory_space<vmem>>) target_semaphore(%run_scoped3A : memref<!tpu.dma_semaphore, #tpu.memory_space<semaphore_mem>>)
        %dma_wait3A = arith.constant 0 : i32
        %dma_wait3A_46 = tpu.memref_slice %arg6[%multiple_of3A_38, %dma_wait3A] : memref<10240x128xf32, #tpu.memory_space<vmem_shared>> -> memref<64x128xf32, #tpu.memory_space<vmem_shared>>
        %dma_wait3A_47 = arith.constant 0 : i32
        %dma_wait3A_48 = tpu.memref_slice %arg6[%multiple_of3A_38, %dma_wait3A_47] : memref<10240x128xf32, #tpu.memory_space<vmem_shared>> -> memref<64x128xf32, #tpu.memory_space<vmem_shared>>
        tpu.wait_dma2 semaphore(%run_scoped3A : memref<!tpu.dma_semaphore, #tpu.memory_space<semaphore_mem>>) src(%dma_wait3A_48 : memref<64x128xf32, #tpu.memory_space<vmem_shared>>) dst(%arg10 : memref<64x128xf32, #tpu.memory_space<vmem>>)
        tpu.yield
      }) : () -> ()
      "tpu.region"() ({
        %run_scoped3A = tpu.sem_alloc : memref<!tpu.dma_semaphore, #tpu.memory_space<semaphore_mem>>
        %dma_start3A = arith.constant 0 : i32
        %dma_start3A_43 = tpu.memref_slice %arg5[%multiple_of3A_42, %dma_start3A] : memref<20480x128xf32, #tpu.memory_space<hbm>> -> memref<64x128xf32, #tpu.memory_space<hbm>>
        %dma_start3A_44 = arith.constant 0 : i32
        %dma_start3A_45 = tpu.memref_slice %arg5[%multiple_of3A_42, %dma_start3A_44] : memref<20480x128xf32, #tpu.memory_space<hbm>> -> memref<64x128xf32, #tpu.memory_space<hbm>>
        tpu.enqueue_dma source(%arg10 : memref<64x128xf32, #tpu.memory_space<vmem>>) target(%dma_start3A_45 : memref<64x128xf32, #tpu.memory_space<hbm>>) target_semaphore(%run_scoped3A : memref<!tpu.dma_semaphore, #tpu.memory_space<semaphore_mem>>)
        %dma_wait3A = arith.constant 0 : i32
        %dma_wait3A_46 = tpu.memref_slice %arg5[%multiple_of3A_42, %dma_wait3A] : memref<20480x128xf32, #tpu.memory_space<hbm>> -> memref<64x128xf32, #tpu.memory_space<hbm>>
        %dma_wait3A_47 = arith.constant 0 : i32
        %dma_wait3A_48 = tpu.memref_slice %arg5[%multiple_of3A_42, %dma_wait3A_47] : memref<20480x128xf32, #tpu.memory_space<hbm>> -> memref<64x128xf32, #tpu.memory_space<hbm>>
        tpu.wait_dma2 semaphore(%run_scoped3A : memref<!tpu.dma_semaphore, #tpu.memory_space<semaphore_mem>>) src(%arg10 : memref<64x128xf32, #tpu.memory_space<vmem>>) dst(%dma_wait3A_48 : memref<64x128xf32, #tpu.memory_space<hbm>>)
        tpu.yield
      }) : () -> ()
    }
    %scan3A_33 = arith.constant 10 : i32
    return
  }
}

#map = affine_map<(d0, d1) -> (0, 0)>
#map1 = affine_map<(d0, d1) -> (0)>
module attributes {stable_mosaic.version = 14 : i64} {
  func.func @body(%arg0: i32, %arg1: i32, %arg2: memref<320000x128xf32, #tpu.memory_space<hbm>>, %arg3: memref<320000xi32, #tpu.memory_space<hbm>>, %arg4: memref<20480x128xf32, #tpu.memory_space<hbm>>, %arg5: memref<10240x128xf32, #tpu.memory_space<vmem_shared>>, %arg6: memref<80xi32, #tpu.memory_space<vmem>>, %arg7: memref<80x128xf32, #tpu.memory_space<vmem>>, %arg8: memref<64x128xf32, #tpu.memory_space<vmem>>, %arg9: memref<!tpu.dma_semaphore, #tpu.memory_space<semaphore_mem>>) attributes {dimension_semantics = [#tpu.dimension_semantics<core_parallel>, #tpu.dimension_semantics<subcore_parallel>], iteration_bounds = array<i64: 2, 16>, scalar_prefetch = 0 : i64, scratch_operands = 5 : i64, tpu.core_type = #tpu.core_type<sc_vector_subcore>, window_params = [{transform_indices = #map}, {transform_indices = #map1}, {transform_indices = #map}]} {
    %mul3A = arith.constant 640 : i32
    %mul3A_0 = arith.muli %arg1, %mul3A : i32
    %multiple_of3A = tpu.assume_multiple %mul3A_0, 8 : i32
    %broadcast_in_dim3A = arith.constant 0.000000e+00 : f32
    %broadcast_in_dim3A_1 = vector.broadcast %broadcast_in_dim3A : f32 to vector<16xf32>
    %scan3A = arith.constant 0 : i32
    %scan3A_2 = arith.constant 0 : i32
    %scan3A_3 = arith.constant 64 : i32
    %scan3A_4 = arith.addi %scan3A_2, %scan3A_3 : i32
    %scan3A_5 = arith.constant 1 : i32
    scf.for %scan3A_34 = %scan3A_2 to %scan3A_4 step %scan3A_5  : i32 {
      %swap3A = arith.index_cast %scan3A_34 : i32 to index
      %swap3A_35 = arith.constant 0 : index
      %swap3A_36 = tpu.vector_load %arg8[%swap3A, %swap3A_35] {strides = array<i32>} : memref<64x128xf32, #tpu.memory_space<vmem>>, vector<1x16xf32>,
      %swap3A_37 = vector.shape_cast %swap3A_36 : vector<1x16xf32> to vector<16xf32>
      %swap3A_38 = vector.shape_cast %broadcast_in_dim3A_1 : vector<16xf32> to vector<1x16xf32>
      tpu.vector_store %arg8[%swap3A, %swap3A_35], %swap3A_38 {strides = array<i32>} : memref<64x128xf32, #tpu.memory_space<vmem>>, vector<1x16xf32>,
      %swap3A_39 = arith.index_cast %scan3A_34 : i32 to index
      %swap3A_40 = arith.constant 16 : index
      %swap3A_41 = tpu.vector_load %arg8[%swap3A_39, %swap3A_40] {strides = array<i32>} : memref<64x128xf32, #tpu.memory_space<vmem>>, vector<1x16xf32>,
      %swap3A_42 = vector.shape_cast %swap3A_41 : vector<1x16xf32> to vector<16xf32>
      %swap3A_43 = vector.shape_cast %broadcast_in_dim3A_1 : vector<16xf32> to vector<1x16xf32>
      tpu.vector_store %arg8[%swap3A_39, %swap3A_40], %swap3A_43 {strides = array<i32>} : memref<64x128xf32, #tpu.memory_space<vmem>>, vector<1x16xf32>,
      %swap3A_44 = arith.index_cast %scan3A_34 : i32 to index
      %swap3A_45 = arith.constant 32 : index
      %swap3A_46 = tpu.vector_load %arg8[%swap3A_44, %swap3A_45] {strides = array<i32>} : memref<64x128xf32, #tpu.memory_space<vmem>>, vector<1x16xf32>,
      %swap3A_47 = vector.shape_cast %swap3A_46 : vector<1x16xf32> to vector<16xf32>
      %swap3A_48 = vector.shape_cast %broadcast_in_dim3A_1 : vector<16xf32> to vector<1x16xf32>
      tpu.vector_store %arg8[%swap3A_44, %swap3A_45], %swap3A_48 {strides = array<i32>} : memref<64x128xf32, #tpu.memory_space<vmem>>, vector<1x16xf32>,
      %swap3A_49 = arith.index_cast %scan3A_34 : i32 to index
      %swap3A_50 = arith.constant 48 : index
      %swap3A_51 = tpu.vector_load %arg8[%swap3A_49, %swap3A_50] {strides = array<i32>} : memref<64x128xf32, #tpu.memory_space<vmem>>, vector<1x16xf32>,
      %swap3A_52 = vector.shape_cast %swap3A_51 : vector<1x16xf32> to vector<16xf32>
      %swap3A_53 = vector.shape_cast %broadcast_in_dim3A_1 : vector<16xf32> to vector<1x16xf32>
      tpu.vector_store %arg8[%swap3A_49, %swap3A_50], %swap3A_53 {strides = array<i32>} : memref<64x128xf32, #tpu.memory_space<vmem>>, vector<1x16xf32>,
      %swap3A_54 = arith.index_cast %scan3A_34 : i32 to index
      %swap3A_55 = arith.constant 64 : index
      %swap3A_56 = tpu.vector_load %arg8[%swap3A_54, %swap3A_55] {strides = array<i32>} : memref<64x128xf32, #tpu.memory_space<vmem>>, vector<1x16xf32>,
      %swap3A_57 = vector.shape_cast %swap3A_56 : vector<1x16xf32> to vector<16xf32>
      %swap3A_58 = vector.shape_cast %broadcast_in_dim3A_1 : vector<16xf32> to vector<1x16xf32>
      tpu.vector_store %arg8[%swap3A_54, %swap3A_55], %swap3A_58 {strides = array<i32>} : memref<64x128xf32, #tpu.memory_space<vmem>>, vector<1x16xf32>,
      %swap3A_59 = arith.index_cast %scan3A_34 : i32 to index
      %swap3A_60 = arith.constant 80 : index
      %swap3A_61 = tpu.vector_load %arg8[%swap3A_59, %swap3A_60] {strides = array<i32>} : memref<64x128xf32, #tpu.memory_space<vmem>>, vector<1x16xf32>,
      %swap3A_62 = vector.shape_cast %swap3A_61 : vector<1x16xf32> to vector<16xf32>
      %swap3A_63 = vector.shape_cast %broadcast_in_dim3A_1 : vector<16xf32> to vector<1x16xf32>
      tpu.vector_store %arg8[%swap3A_59, %swap3A_60], %swap3A_63 {strides = array<i32>} : memref<64x128xf32, #tpu.memory_space<vmem>>, vector<1x16xf32>,
      %swap3A_64 = arith.index_cast %scan3A_34 : i32 to index
      %swap3A_65 = arith.constant 96 : index
      %swap3A_66 = tpu.vector_load %arg8[%swap3A_64, %swap3A_65] {strides = array<i32>} : memref<64x128xf32, #tpu.memory_space<vmem>>, vector<1x16xf32>,
      %swap3A_67 = vector.shape_cast %swap3A_66 : vector<1x16xf32> to vector<16xf32>
      %swap3A_68 = vector.shape_cast %broadcast_in_dim3A_1 : vector<16xf32> to vector<1x16xf32>
      tpu.vector_store %arg8[%swap3A_64, %swap3A_65], %swap3A_68 {strides = array<i32>} : memref<64x128xf32, #tpu.memory_space<vmem>>, vector<1x16xf32>,
      %swap3A_69 = arith.index_cast %scan3A_34 : i32 to index
      %swap3A_70 = arith.constant 112 : index
      %swap3A_71 = tpu.vector_load %arg8[%swap3A_69, %swap3A_70] {strides = array<i32>} : memref<64x128xf32, #tpu.memory_space<vmem>>, vector<1x16xf32>,
      %swap3A_72 = vector.shape_cast %swap3A_71 : vector<1x16xf32> to vector<16xf32>
      %swap3A_73 = vector.shape_cast %broadcast_in_dim3A_1 : vector<16xf32> to vector<1x16xf32>
      tpu.vector_store %arg8[%swap3A_69, %swap3A_70], %swap3A_73 {strides = array<i32>} : memref<64x128xf32, #tpu.memory_space<vmem>>, vector<1x16xf32>,
    }
    %scan3A_6 = arith.constant 64 : i32
    %scan3A_7 = arith.constant 0 : i32
    %scan3A_8 = arith.constant 0 : i32
    %scan3A_9 = arith.constant 10 : i32
    %scan3A_10 = arith.addi %scan3A_8, %scan3A_9 : i32
    %scan3A_11 = arith.constant 1 : i32
    scf.for %scan3A_34 = %scan3A_8 to %scan3A_10 step %scan3A_11  : i32 {
      %mul3A_35 = arith.constant 64 : i32
      %mul3A_36 = arith.muli %scan3A_34, %mul3A_35 : i32
      %add3A_37 = arith.addi %multiple_of3A, %mul3A_36 : i32
      %multiple_of3A_38 = tpu.assume_multiple %add3A_37, 8 : i32
      "tpu.region"() ({
        %run_scoped3A = tpu.sem_alloc : memref<!tpu.dma_semaphore, #tpu.memory_space<semaphore_mem>>
        %dma_start3A = arith.constant 0 : i32
        %dma_start3A_39 = tpu.memref_slice %arg5[%multiple_of3A_38, %dma_start3A] : memref<10240x128xf32, #tpu.memory_space<vmem_shared>> -> memref<64x128xf32, #tpu.memory_space<vmem_shared>>
        %dma_start3A_40 = arith.constant 0 : i32
        %dma_start3A_41 = tpu.memref_slice %arg5[%multiple_of3A_38, %dma_start3A_40] : memref<10240x128xf32, #tpu.memory_space<vmem_shared>> -> memref<64x128xf32, #tpu.memory_space<vmem_shared>>
        tpu.enqueue_dma source(%arg8 : memref<64x128xf32, #tpu.memory_space<vmem>>) target(%dma_start3A_41 : memref<64x128xf32, #tpu.memory_space<vmem_shared>>) target_semaphore(%run_scoped3A : memref<!tpu.dma_semaphore, #tpu.memory_space<semaphore_mem>>)
        %dma_wait3A = arith.constant 0 : i32
        %dma_wait3A_42 = tpu.memref_slice %arg5[%multiple_of3A_38, %dma_wait3A] : memref<10240x128xf32, #tpu.memory_space<vmem_shared>> -> memref<64x128xf32, #tpu.memory_space<vmem_shared>>
        %dma_wait3A_43 = arith.constant 0 : i32
        %dma_wait3A_44 = tpu.memref_slice %arg5[%multiple_of3A_38, %dma_wait3A_43] : memref<10240x128xf32, #tpu.memory_space<vmem_shared>> -> memref<64x128xf32, #tpu.memory_space<vmem_shared>>
        tpu.wait_dma2 semaphore(%run_scoped3A : memref<!tpu.dma_semaphore, #tpu.memory_space<semaphore_mem>>) src(%arg8 : memref<64x128xf32, #tpu.memory_space<vmem>>) dst(%dma_wait3A_44 : memref<64x128xf32, #tpu.memory_space<vmem_shared>>)
        tpu.yield
      }) : () -> ()
    }
    %scan3A_12 = arith.constant 10 : i32
    %barrier3A = arith.constant 0 : index
    tpu.barrier barrier_id(%barrier3A)
    %mul3A_13 = arith.constant 16 : i32
    %mul3A_14 = arith.muli %arg0, %mul3A_13 : i32
    %add3A = arith.addi %mul3A_14, %arg1 : i32
    %mul3A_15 = arith.constant 10000 : i32
    %mul3A_16 = arith.muli %add3A, %mul3A_15 : i32
    %scan3A_17 = arith.constant 0 : i32
    %scan3A_18 = arith.constant 0 : i32
    %scan3A_19 = arith.constant 125 : i32
    %scan3A_20 = arith.addi %scan3A_18, %scan3A_19 : i32
    %scan3A_21 = arith.constant 1 : i32
    scf.for %scan3A_34 = %scan3A_18 to %scan3A_20 step %scan3A_21  : i32 {
      %mul3A_35 = arith.constant 80 : i32
      %mul3A_36 = arith.muli %scan3A_34, %mul3A_35 : i32
      %add3A_37 = arith.addi %mul3A_16, %mul3A_36 : i32
      %multiple_of3A_38 = tpu.assume_multiple %add3A_37, 8 : i32
      "tpu.region"() ({
        %run_scoped3A = tpu.sem_alloc : memref<!tpu.dma_semaphore, #tpu.memory_space<semaphore_mem>>
        %dma_start3A = tpu.memref_slice %arg3[%multiple_of3A_38] : memref<320000xi32, #tpu.memory_space<hbm>> -> memref<80xi32, #tpu.memory_space<hbm>>
        %dma_start3A_39 = tpu.memref_slice %arg3[%multiple_of3A_38] : memref<320000xi32, #tpu.memory_space<hbm>> -> memref<80xi32, #tpu.memory_space<hbm>>
        tpu.enqueue_dma source(%dma_start3A_39 : memref<80xi32, #tpu.memory_space<hbm>>) target(%arg6 : memref<80xi32, #tpu.memory_space<vmem>>) target_semaphore(%run_scoped3A : memref<!tpu.dma_semaphore, #tpu.memory_space<semaphore_mem>>)
        %dma_wait3A = tpu.memref_slice %arg3[%multiple_of3A_38] : memref<320000xi32, #tpu.memory_space<hbm>> -> memref<80xi32, #tpu.memory_space<hbm>>
        %dma_wait3A_40 = tpu.memref_slice %arg3[%multiple_of3A_38] : memref<320000xi32, #tpu.memory_space<hbm>> -> memref<80xi32, #tpu.memory_space<hbm>>
        tpu.wait_dma2 semaphore(%run_scoped3A : memref<!tpu.dma_semaphore, #tpu.memory_space<semaphore_mem>>) src(%dma_wait3A_40 : memref<80xi32, #tpu.memory_space<hbm>>) dst(%arg6 : memref<80xi32, #tpu.memory_space<vmem>>)
        tpu.yield
      }) : () -> ()
      "tpu.region"() ({
        %run_scoped3A = tpu.sem_alloc : memref<!tpu.dma_semaphore, #tpu.memory_space<semaphore_mem>>
        %dma_start3A = arith.constant 0 : i32
        %dma_start3A_39 = tpu.memref_slice %arg2[%multiple_of3A_38, %dma_start3A] : memref<320000x128xf32, #tpu.memory_space<hbm>> -> memref<80x128xf32, #tpu.memory_space<hbm>>
        %dma_start3A_40 = arith.constant 0 : i32
        %dma_start3A_41 = tpu.memref_slice %arg2[%multiple_of3A_38, %dma_start3A_40] : memref<320000x128xf32, #tpu.memory_space<hbm>> -> memref<80x128xf32, #tpu.memory_space<hbm>>
        tpu.enqueue_dma source(%dma_start3A_41 : memref<80x128xf32, #tpu.memory_space<hbm>>) target(%arg7 : memref<80x128xf32, #tpu.memory_space<vmem>>) target_semaphore(%run_scoped3A : memref<!tpu.dma_semaphore, #tpu.memory_space<semaphore_mem>>)
        %dma_wait3A = arith.constant 0 : i32
        %dma_wait3A_42 = tpu.memref_slice %arg2[%multiple_of3A_38, %dma_wait3A] : memref<320000x128xf32, #tpu.memory_space<hbm>> -> memref<80x128xf32, #tpu.memory_space<hbm>>
        %dma_wait3A_43 = arith.constant 0 : i32
        %dma_wait3A_44 = tpu.memref_slice %arg2[%multiple_of3A_38, %dma_wait3A_43] : memref<320000x128xf32, #tpu.memory_space<hbm>> -> memref<80x128xf32, #tpu.memory_space<hbm>>
        tpu.wait_dma2 semaphore(%run_scoped3A : memref<!tpu.dma_semaphore, #tpu.memory_space<semaphore_mem>>) src(%dma_wait3A_44 : memref<80x128xf32, #tpu.memory_space<hbm>>) dst(%arg7 : memref<80x128xf32, #tpu.memory_space<vmem>>)
        tpu.yield
      }) : () -> ()
      "tpu.region"() ({
        %run_scoped3A = tpu.sem_alloc : memref<!tpu.dma_semaphore, #tpu.memory_space<semaphore_mem>>
        %dma_start3A = arith.constant 0 : i32
        %dma_start3A_39 = arith.constant 0 : i32
        %dma_start3A_40 = tpu.memref_slice %arg5[%dma_start3A, %dma_start3A_39] : memref<10240x128xf32, #tpu.memory_space<vmem_shared>> -> memref<10240x128xf32, #tpu.memory_space<vmem_shared>>
        tpu.enqueue_indirect_dma source(%arg7 : memref<80x128xf32, #tpu.memory_space<vmem>>) target(%dma_start3A_40 : memref<10240x128xf32, #tpu.memory_space<vmem_shared>>) offsets(%arg6 : memref<80xi32, #tpu.memory_space<vmem>>) semaphore(%run_scoped3A : memref<!tpu.dma_semaphore, #tpu.memory_space<semaphore_mem>>) {add = true}
        %dma_wait3A = arith.constant 0 : i32
        %dma_wait3A_41 = arith.constant 0 : i32
        %dma_wait3A_42 = tpu.memref_slice %arg5[%dma_wait3A, %dma_wait3A_41] : memref<10240x128xf32, #tpu.memory_space<vmem_shared>> -> memref<10240x128xf32, #tpu.memory_space<vmem_shared>>
        tpu.wait_indirect_dma semaphore(%run_scoped3A : memref<!tpu.dma_semaphore, #tpu.memory_space<semaphore_mem>>) src(%arg7 : memref<80x128xf32, #tpu.memory_space<vmem>>) dst(%dma_wait3A_42 : memref<10240x128xf32, #tpu.memory_space<vmem_shared>>)
        tpu.yield
      }) : () -> ()
    }
    %scan3A_22 = arith.constant 125 : i32
    %barrier3A_23 = arith.constant 0 : index
    tpu.barrier barrier_id(%barrier3A_23)
    %mul3A_24 = arith.constant 10240 : i32
    %mul3A_25 = arith.muli %arg0, %mul3A_24 : i32
    %add3A_26 = arith.addi %mul3A_25, %multiple_of3A : i32
    %multiple_of3A_27 = tpu.assume_multiple %add3A_26, 8 : i32
    %scan3A_28 = arith.constant 0 : i32
    %scan3A_29 = arith.constant 0 : i32
    %scan3A_30 = arith.constant 10 : i32
    %scan3A_31 = arith.addi %scan3A_29, %scan3A_30 : i32
    %scan3A_32 = arith.constant 1 : i32
    scf.for %scan3A_34 = %scan3A_29 to %scan3A_31 step %scan3A_32  : i32 {
      %mul3A_35 = arith.constant 64 : i32
      %mul3A_36 = arith.muli %scan3A_34, %mul3A_35 : i32
      %add3A_37 = arith.addi %multiple_of3A, %mul3A_36 : i32
      %multiple_of3A_38 = tpu.assume_multiple %add3A_37, 8 : i32
      %mul3A_39 = arith.constant 64 : i32
      %mul3A_40 = arith.muli %scan3A_34, %mul3A_39 : i32
      %add3A_41 = arith.addi %multiple_of3A_27, %mul3A_40 : i32
      %multiple_of3A_42 = tpu.assume_multiple %add3A_41, 8 : i32
      "tpu.region"() ({
        %run_scoped3A = tpu.sem_alloc : memref<!tpu.dma_semaphore, #tpu.memory_space<semaphore_mem>>
        %dma_start3A = arith.constant 0 : i32
        %dma_start3A_43 = tpu.memref_slice %arg5[%multiple_of3A_38, %dma_start3A] : memref<10240x128xf32, #tpu.memory_space<vmem_shared>> -> memref<64x128xf32, #tpu.memory_space<vmem_shared>>
        %dma_start3A_44 = arith.constant 0 : i32
        %dma_start3A_45 = tpu.memref_slice %arg5[%multiple_of3A_38, %dma_start3A_44] : memref<10240x128xf32, #tpu.memory_space<vmem_shared>> -> memref<64x128xf32, #tpu.memory_space<vmem_shared>>
        tpu.enqueue_dma source(%dma_start3A_45 : memref<64x128xf32, #tpu.memory_space<vmem_shared>>) target(%arg8 : memref<64x128xf32, #tpu.memory_space<vmem>>) target_semaphore(%run_scoped3A : memref<!tpu.dma_semaphore, #tpu.memory_space<semaphore_mem>>)
        %dma_wait3A = arith.constant 0 : i32
        %dma_wait3A_46 = tpu.memref_slice %arg5[%multiple_of3A_38, %dma_wait3A] : memref<10240x128xf32, #tpu.memory_space<vmem_shared>> -> memref<64x128xf32, #tpu.memory_space<vmem_shared>>
        %dma_wait3A_47 = arith.constant 0 : i32
        %dma_wait3A_48 = tpu.memref_slice %arg5[%multiple_of3A_38, %dma_wait3A_47] : memref<10240x128xf32, #tpu.memory_space<vmem_shared>> -> memref<64x128xf32, #tpu.memory_space<vmem_shared>>
        tpu.wait_dma2 semaphore(%run_scoped3A : memref<!tpu.dma_semaphore, #tpu.memory_space<semaphore_mem>>) src(%dma_wait3A_48 : memref<64x128xf32, #tpu.memory_space<vmem_shared>>) dst(%arg8 : memref<64x128xf32, #tpu.memory_space<vmem>>)
        tpu.yield
      }) : () -> ()
      "tpu.region"() ({
        %run_scoped3A = tpu.sem_alloc : memref<!tpu.dma_semaphore, #tpu.memory_space<semaphore_mem>>
        %dma_start3A = arith.constant 0 : i32
        %dma_start3A_43 = tpu.memref_slice %arg4[%multiple_of3A_42, %dma_start3A] : memref<20480x128xf32, #tpu.memory_space<hbm>> -> memref<64x128xf32, #tpu.memory_space<hbm>>
        %dma_start3A_44 = arith.constant 0 : i32
        %dma_start3A_45 = tpu.memref_slice %arg4[%multiple_of3A_42, %dma_start3A_44] : memref<20480x128xf32, #tpu.memory_space<hbm>> -> memref<64x128xf32, #tpu.memory_space<hbm>>
        tpu.enqueue_dma source(%arg8 : memref<64x128xf32, #tpu.memory_space<vmem>>) target(%dma_start3A_45 : memref<64x128xf32, #tpu.memory_space<hbm>>) target_semaphore(%run_scoped3A : memref<!tpu.dma_semaphore, #tpu.memory_space<semaphore_mem>>)
        %dma_wait3A = arith.constant 0 : i32
        %dma_wait3A_46 = tpu.memref_slice %arg4[%multiple_of3A_42, %dma_wait3A] : memref<20480x128xf32, #tpu.memory_space<hbm>> -> memref<64x128xf32, #tpu.memory_space<hbm>>
        %dma_wait3A_47 = arith.constant 0 : i32
        %dma_wait3A_48 = tpu.memref_slice %arg4[%multiple_of3A_42, %dma_wait3A_47] : memref<20480x128xf32, #tpu.memory_space<hbm>> -> memref<64x128xf32, #tpu.memory_space<hbm>>
        tpu.wait_dma2 semaphore(%run_scoped3A : memref<!tpu.dma_semaphore, #tpu.memory_space<semaphore_mem>>) src(%arg8 : memref<64x128xf32, #tpu.memory_space<vmem>>) dst(%dma_wait3A_48 : memref<64x128xf32, #tpu.memory_space<hbm>>)
        tpu.yield
      }) : () -> ()
    }
    %scan3A_33 = arith.constant 10 : i32
    return
  }
}

module attributes {stable_mosaic.version = 14 : i64} {
  func.func @body(%arg0: i32, %arg1: memref<2x2000x128xf32, #tpu.memory_space<vmem>>, %arg2: memref<2x2000x128xf32, #tpu.memory_space<vmem>>, %arg3: memref<2000x128xf32, #tpu.memory_space<vmem>>, %arg4: memref<128x128xf32, #tpu.memory_space<vmem>>, %arg5: memref<128x128xf32, #tpu.memory_space<vmem>>, %arg6: memref<128x384xf32, #tpu.memory_space<vmem>>, %arg7: memref<128x384xf32, #tpu.memory_space<vmem>>, %arg8: memref<1x384xf32, #tpu.memory_space<vmem>>, %arg9: memref<1x384xf32, #tpu.memory_space<vmem>>, %arg10: memref<2000x128xf32, #tpu.memory_space<vmem>>) attributes {dimension_semantics = [#tpu.dimension_semantics<arbitrary>], iteration_bounds = array<i64: 5>, scalar_prefetch = 0 : i64, scratch_operands = 0 : i64, tpu.core_type = #tpu.core_type<tc>, window_params = [{transform_indices = @transform_0, window_bounds = array<i64: 2, 2000, 128>}, {transform_indices = @transform_1, window_bounds = array<i64: 2, 2000, 128>}, {transform_indices = @transform_2, window_bounds = array<i64: 2000, 128>}, {pipeline_mode = #tpu.pipeline_mode<synchronous>, transform_indices = @transform_3, window_bounds = array<i64: 128, 128>}, {pipeline_mode = #tpu.pipeline_mode<synchronous>, transform_indices = @transform_4, window_bounds = array<i64: 128, 128>}, {pipeline_mode = #tpu.pipeline_mode<synchronous>, transform_indices = @transform_5, window_bounds = array<i64: 128, 384>}, {pipeline_mode = #tpu.pipeline_mode<synchronous>, transform_indices = @transform_6, window_bounds = array<i64: 128, 384>}, {pipeline_mode = #tpu.pipeline_mode<synchronous>, transform_indices = @transform_7, window_bounds = array<i64: 1, 384>}, {pipeline_mode = #tpu.pipeline_mode<synchronous>, transform_indices = @transform_8, window_bounds = array<i64: 1, 384>}, {transform_indices = @transform_9, window_bounds = array<i64: 2000, 128>}]} {
    %get3A = arith.constant 0 : index
    %get3A_0 = arith.constant 0 : index
    %get3A_1 = arith.constant 0 : index
    %get3A_2 = vector.load %arg1[%get3A, %get3A_0, %get3A_1] : memref<2x2000x128xf32, #tpu.memory_space<vmem>>, vector<1x2000x128xf32>
    %get3A_3 = vector.shape_cast %get3A_2 : vector<1x2000x128xf32> to vector<2000x128xf32>
    %get3A_4 = arith.constant 1 : index
    %get3A_5 = arith.constant 0 : index
    %get3A_6 = arith.constant 0 : index
    %get3A_7 = vector.load %arg1[%get3A_4, %get3A_5, %get3A_6] : memref<2x2000x128xf32, #tpu.memory_space<vmem>>, vector<1x2000x128xf32>
    %get3A_8 = vector.shape_cast %get3A_7 : vector<1x2000x128xf32> to vector<2000x128xf32>
    %add3A = arith.addf %get3A_3, %get3A_8 : vector<2000x128xf32>
    %get3A_9 = arith.constant 0 : index
    %get3A_10 = arith.constant 0 : index
    %get3A_11 = arith.constant 0 : index
    %get3A_12 = vector.load %arg2[%get3A_9, %get3A_10, %get3A_11] : memref<2x2000x128xf32, #tpu.memory_space<vmem>>, vector<1x2000x128xf32>
    %get3A_13 = vector.shape_cast %get3A_12 : vector<1x2000x128xf32> to vector<2000x128xf32>
    %get3A_14 = arith.constant 1 : index
    %get3A_15 = arith.constant 0 : index
    %get3A_16 = arith.constant 0 : index
    %get3A_17 = vector.load %arg2[%get3A_14, %get3A_15, %get3A_16] : memref<2x2000x128xf32, #tpu.memory_space<vmem>>, vector<1x2000x128xf32>
    %get3A_18 = vector.shape_cast %get3A_17 : vector<1x2000x128xf32> to vector<2000x128xf32>
    %add3A_19 = arith.addf %get3A_13, %get3A_18 : vector<2000x128xf32>
    %get3A_20 = arith.constant 0 : index
    %get3A_21 = arith.constant 0 : index
    %get3A_22 = vector.load %arg4[%get3A_20, %get3A_21] : memref<128x128xf32, #tpu.memory_space<vmem>>, vector<128x128xf32>
    %dot_general3A = arith.constant dense<0.000000e+00> : vector<2000x128xf32>
    %dot_general3A_23 = tpu.matmul %add3A, %get3A_22, %dot_general3A {dimension_numbers = #tpu.dot_dimension_numbers<[1], [0], [0], [1], [0, 0, 1, 1], [], []>, transpose_lhs_hint = false} : vector<2000x128xf32>, vector<128x128xf32>, vector<2000x128xf32> -> vector<2000x128xf32>
    %get3A_24 = arith.constant 0 : index
    %get3A_25 = arith.constant 0 : index
    %get3A_26 = vector.load %arg5[%get3A_24, %get3A_25] : memref<128x128xf32, #tpu.memory_space<vmem>>, vector<128x128xf32>
    %dot_general3A_27 = arith.constant dense<0.000000e+00> : vector<2000x128xf32>
    %dot_general3A_28 = tpu.matmul %add3A_19, %get3A_26, %dot_general3A_27 {dimension_numbers = #tpu.dot_dimension_numbers<[1], [0], [0], [1], [0, 0, 1, 1], [], []>, transpose_lhs_hint = false} : vector<2000x128xf32>, vector<128x128xf32>, vector<2000x128xf32> -> vector<2000x128xf32>
    %add3A_29 = arith.addf %dot_general3A_23, %dot_general3A_28 : vector<2000x128xf32>
    %get3A_30 = arith.constant 0 : index
    %get3A_31 = arith.constant 0 : index
    %get3A_32 = vector.load %arg6[%get3A_30, %get3A_31] : memref<128x384xf32, #tpu.memory_space<vmem>>, vector<128x384xf32>
    %dot_general3A_33 = arith.constant dense<0.000000e+00> : vector<2000x384xf32>
    %dot_general3A_34 = tpu.matmul %add3A_29, %get3A_32, %dot_general3A_33 {dimension_numbers = #tpu.dot_dimension_numbers<[1], [0], [0], [1], [0, 0, 1, 1], [], []>, transpose_lhs_hint = false} : vector<2000x128xf32>, vector<128x384xf32>, vector<2000x384xf32> -> vector<2000x384xf32>
    %get3A_35 = arith.constant 0 : index
    %get3A_36 = arith.constant 0 : index
    %get3A_37 = vector.load %arg8[%get3A_35, %get3A_36] : memref<1x384xf32, #tpu.memory_space<vmem>>, vector<1x384xf32>
    %add3A_38 = vector.broadcast %get3A_37 : vector<1x384xf32> to vector<2000x384xf32>
    %add3A_39 = arith.addf %dot_general3A_34, %add3A_38 : vector<2000x384xf32>
    %get3A_40 = arith.constant 0 : index
    %get3A_41 = arith.constant 0 : index
    %get3A_42 = vector.load %arg3[%get3A_40, %get3A_41] : memref<2000x128xf32, #tpu.memory_space<vmem>>, vector<2000x128xf32>
    %get3A_43 = arith.constant 0 : index
    %get3A_44 = arith.constant 0 : index
    %get3A_45 = vector.load %arg7[%get3A_43, %get3A_44] : memref<128x384xf32, #tpu.memory_space<vmem>>, vector<128x384xf32>
    %dot_general3A_46 = arith.constant dense<0.000000e+00> : vector<2000x384xf32>
    %dot_general3A_47 = tpu.matmul %get3A_42, %get3A_45, %dot_general3A_46 {dimension_numbers = #tpu.dot_dimension_numbers<[1], [0], [0], [1], [0, 0, 1, 1], [], []>, transpose_lhs_hint = false} : vector<2000x128xf32>, vector<128x384xf32>, vector<2000x384xf32> -> vector<2000x384xf32>
    %get3A_48 = arith.constant 0 : index
    %get3A_49 = arith.constant 0 : index
    %get3A_50 = vector.load %arg9[%get3A_48, %get3A_49] : memref<1x384xf32, #tpu.memory_space<vmem>>, vector<1x384xf32>
    %add3A_51 = vector.broadcast %get3A_50 : vector<1x384xf32> to vector<2000x384xf32>
    %add3A_52 = arith.addf %dot_general3A_47, %add3A_51 : vector<2000x384xf32>
    %slice3A = vector.extract_strided_slice %add3A_39 {offsets = [0, 0], sizes = [2000, 128], strides = [1, 1]} : vector<2000x384xf32> to vector<2000x128xf32>
    %slice3A_53 = vector.extract_strided_slice %add3A_52 {offsets = [0, 0], sizes = [2000, 128], strides = [1, 1]} : vector<2000x384xf32> to vector<2000x128xf32>
    %add3A_54 = arith.addf %slice3A, %slice3A_53 : vector<2000x128xf32>
    %logistic3A = arith.negf %add3A_54 : vector<2000x128xf32>
    %logistic3A_55 = math.exp %logistic3A : vector<2000x128xf32>
    %logistic3A_56 = arith.constant 1.000000e+00 : f32
    %logistic3A_57 = vector.broadcast %logistic3A_56 : f32 to vector<2000x128xf32>
    %logistic3A_58 = arith.addf %logistic3A_57, %logistic3A_55 : vector<2000x128xf32>
    %logistic3A_59 = arith.divf %logistic3A_57, %logistic3A_58 : vector<2000x128xf32>
    %slice3A_60 = vector.extract_strided_slice %add3A_39 {offsets = [0, 128], sizes = [2000, 128], strides = [1, 1]} : vector<2000x384xf32> to vector<2000x128xf32>
    %slice3A_61 = vector.extract_strided_slice %add3A_52 {offsets = [0, 128], sizes = [2000, 128], strides = [1, 1]} : vector<2000x384xf32> to vector<2000x128xf32>
    %add3A_62 = arith.addf %slice3A_60, %slice3A_61 : vector<2000x128xf32>
    %logistic3A_63 = arith.negf %add3A_62 : vector<2000x128xf32>
    %logistic3A_64 = math.exp %logistic3A_63 : vector<2000x128xf32>
    %logistic3A_65 = arith.constant 1.000000e+00 : f32
    %logistic3A_66 = vector.broadcast %logistic3A_65 : f32 to vector<2000x128xf32>
    %logistic3A_67 = arith.addf %logistic3A_66, %logistic3A_64 : vector<2000x128xf32>
    %logistic3A_68 = arith.divf %logistic3A_66, %logistic3A_67 : vector<2000x128xf32>
    %slice3A_69 = vector.extract_strided_slice %add3A_39 {offsets = [0, 256], sizes = [2000, 128], strides = [1, 1]} : vector<2000x384xf32> to vector<2000x128xf32>
    %slice3A_70 = vector.extract_strided_slice %add3A_52 {offsets = [0, 256], sizes = [2000, 128], strides = [1, 1]} : vector<2000x384xf32> to vector<2000x128xf32>
    %mul3A = arith.mulf %logistic3A_59, %slice3A_70 : vector<2000x128xf32>
    %add3A_71 = arith.addf %slice3A_69, %mul3A : vector<2000x128xf32>
    %tanh3A = math.tanh %add3A_71 : vector<2000x128xf32>
    %sub3A = arith.constant 1.000000e+00 : f32
    %sub3A_72 = vector.broadcast %sub3A : f32 to vector<2000x128xf32>
    %sub3A_73 = arith.subf %sub3A_72, %logistic3A_68 : vector<2000x128xf32>
    %mul3A_74 = arith.mulf %sub3A_73, %tanh3A : vector<2000x128xf32>
    %get3A_75 = arith.constant 0 : index
    %get3A_76 = arith.constant 0 : index
    %get3A_77 = vector.load %arg3[%get3A_75, %get3A_76] : memref<2000x128xf32, #tpu.memory_space<vmem>>, vector<2000x128xf32>
    %mul3A_78 = arith.mulf %logistic3A_68, %get3A_77 : vector<2000x128xf32>
    %add3A_79 = arith.addf %mul3A_74, %mul3A_78 : vector<2000x128xf32>
    %swap3A = arith.constant 0 : index
    %swap3A_80 = arith.constant 0 : index
    %swap3A_81 = vector.load %arg10[%swap3A, %swap3A_80] : memref<2000x128xf32, #tpu.memory_space<vmem>>, vector<2000x128xf32>
    tpu.vector_store %arg10[%swap3A, %swap3A_80], %add3A_79 {strides = array<i32>} : memref<2000x128xf32, #tpu.memory_space<vmem>>, vector<2000x128xf32>,
    return
  }
  func.func @transform_0(%arg0: i32) -> (i32, i32, i32) {
    %c0_i32 = arith.constant 0 : i32
    %c0_i32_0 = arith.constant 0 : i32
    %c0_i32_1 = arith.constant 0 : i32
    return %c0_i32, %arg0, %c0_i32_0 : i32, i32, i32
  }
  func.func @transform_1(%arg0: i32) -> (i32, i32, i32) {
    %c0_i32 = arith.constant 0 : i32
    %c0_i32_0 = arith.constant 0 : i32
    %c0_i32_1 = arith.constant 0 : i32
    return %c0_i32, %arg0, %c0_i32_0 : i32, i32, i32
  }
  func.func @transform_2(%arg0: i32) -> (i32, i32) {
    %c0_i32 = arith.constant 0 : i32
    %c0_i32_0 = arith.constant 0 : i32
    return %arg0, %c0_i32 : i32, i32
  }
  func.func @transform_3(%arg0: i32) -> (i32, i32) {
    %c0_i32 = arith.constant 0 : i32
    %c0_i32_0 = arith.constant 0 : i32
    %c0_i32_1 = arith.constant 0 : i32
    return %c0_i32, %c0_i32_0 : i32, i32
  }
  func.func @transform_4(%arg0: i32) -> (i32, i32) {
    %c0_i32 = arith.constant 0 : i32
    %c0_i32_0 = arith.constant 0 : i32
    %c0_i32_1 = arith.constant 0 : i32
    return %c0_i32, %c0_i32_0 : i32, i32
  }
  func.func @transform_5(%arg0: i32) -> (i32, i32) {
    %c0_i32 = arith.constant 0 : i32
    %c0_i32_0 = arith.constant 0 : i32
    %c0_i32_1 = arith.constant 0 : i32
    return %c0_i32, %c0_i32_0 : i32, i32
  }
  func.func @transform_6(%arg0: i32) -> (i32, i32) {
    %c0_i32 = arith.constant 0 : i32
    %c0_i32_0 = arith.constant 0 : i32
    %c0_i32_1 = arith.constant 0 : i32
    return %c0_i32, %c0_i32_0 : i32, i32
  }
  func.func @transform_7(%arg0: i32) -> (i32, i32) {
    %c0_i32 = arith.constant 0 : i32
    %c0_i32_0 = arith.constant 0 : i32
    %c0_i32_1 = arith.constant 0 : i32
    return %c0_i32, %c0_i32_0 : i32, i32
  }
  func.func @transform_8(%arg0: i32) -> (i32, i32) {
    %c0_i32 = arith.constant 0 : i32
    %c0_i32_0 = arith.constant 0 : i32
    %c0_i32_1 = arith.constant 0 : i32
    return %c0_i32, %c0_i32_0 : i32, i32
  }
  func.func @transform_9(%arg0: i32) -> (i32, i32) {
    %c0_i32 = arith.constant 0 : i32
    %c0_i32_0 = arith.constant 0 : i32
    return %arg0, %c0_i32 : i32, i32
  }
}

module attributes {stable_mosaic.version = 14 : i64} {
  func.func @body(%arg0: i32, %arg1: memref<2x2000x128xf32, #tpu.memory_space<vmem>>, %arg2: memref<2x2000x128xf32, #tpu.memory_space<vmem>>, %arg3: memref<2000x128xf32, #tpu.memory_space<vmem>>, %arg4: memref<128x128xf32, #tpu.memory_space<vmem>>, %arg5: memref<128x128xf32, #tpu.memory_space<vmem>>, %arg6: memref<128x384xf32, #tpu.memory_space<vmem>>, %arg7: memref<128x384xf32, #tpu.memory_space<vmem>>, %arg8: memref<1x384xf32, #tpu.memory_space<vmem>>, %arg9: memref<1x384xf32, #tpu.memory_space<vmem>>, %arg10: memref<2000x128xf32, #tpu.memory_space<vmem>>) attributes {dimension_semantics = [#tpu.dimension_semantics<arbitrary>], iteration_bounds = array<i64: 5>, scalar_prefetch = 0 : i64, scratch_operands = 0 : i64, tpu.core_type = #tpu.core_type<tc>, window_params = [{transform_indices = @transform_0, window_bounds = array<i64: 2, 2000, 128>}, {transform_indices = @transform_1, window_bounds = array<i64: 2, 2000, 128>}, {transform_indices = @transform_2, window_bounds = array<i64: 2000, 128>}, {pipeline_mode = #tpu.pipeline_mode<synchronous>, transform_indices = @transform_3, window_bounds = array<i64: 128, 128>}, {pipeline_mode = #tpu.pipeline_mode<synchronous>, transform_indices = @transform_4, window_bounds = array<i64: 128, 128>}, {pipeline_mode = #tpu.pipeline_mode<synchronous>, transform_indices = @transform_5, window_bounds = array<i64: 128, 384>}, {pipeline_mode = #tpu.pipeline_mode<synchronous>, transform_indices = @transform_6, window_bounds = array<i64: 128, 384>}, {pipeline_mode = #tpu.pipeline_mode<synchronous>, transform_indices = @transform_7, window_bounds = array<i64: 1, 384>}, {pipeline_mode = #tpu.pipeline_mode<synchronous>, transform_indices = @transform_8, window_bounds = array<i64: 1, 384>}, {transform_indices = @transform_9, window_bounds = array<i64: 2000, 128>}]} {
    %get3A = arith.constant 0 : index
    %get3A_0 = arith.constant 0 : index
    %get3A_1 = arith.constant 0 : index
    %get3A_2 = vector.load %arg1[%get3A, %get3A_0, %get3A_1] : memref<2x2000x128xf32, #tpu.memory_space<vmem>>, vector<1x2000x128xf32>
    %get3A_3 = vector.shape_cast %get3A_2 : vector<1x2000x128xf32> to vector<2000x128xf32>
    %get3A_4 = arith.constant 1 : index
    %get3A_5 = arith.constant 0 : index
    %get3A_6 = arith.constant 0 : index
    %get3A_7 = vector.load %arg1[%get3A_4, %get3A_5, %get3A_6] : memref<2x2000x128xf32, #tpu.memory_space<vmem>>, vector<1x2000x128xf32>
    %get3A_8 = vector.shape_cast %get3A_7 : vector<1x2000x128xf32> to vector<2000x128xf32>
    %add3A = arith.addf %get3A_3, %get3A_8 : vector<2000x128xf32>
    %get3A_9 = arith.constant 0 : index
    %get3A_10 = arith.constant 0 : index
    %get3A_11 = arith.constant 0 : index
    %get3A_12 = vector.load %arg2[%get3A_9, %get3A_10, %get3A_11] : memref<2x2000x128xf32, #tpu.memory_space<vmem>>, vector<1x2000x128xf32>
    %get3A_13 = vector.shape_cast %get3A_12 : vector<1x2000x128xf32> to vector<2000x128xf32>
    %get3A_14 = arith.constant 1 : index
    %get3A_15 = arith.constant 0 : index
    %get3A_16 = arith.constant 0 : index
    %get3A_17 = vector.load %arg2[%get3A_14, %get3A_15, %get3A_16] : memref<2x2000x128xf32, #tpu.memory_space<vmem>>, vector<1x2000x128xf32>
    %get3A_18 = vector.shape_cast %get3A_17 : vector<1x2000x128xf32> to vector<2000x128xf32>
    %add3A_19 = arith.addf %get3A_13, %get3A_18 : vector<2000x128xf32>
    %get3A_20 = arith.constant 0 : index
    %get3A_21 = arith.constant 0 : index
    %get3A_22 = vector.load %arg4[%get3A_20, %get3A_21] : memref<128x128xf32, #tpu.memory_space<vmem>>, vector<128x128xf32>
    %dot_general3A = arith.constant dense<0.000000e+00> : vector<2000x128xf32>
    %dot_general3A_23 = tpu.matmul %add3A, %get3A_22, %dot_general3A {dimension_numbers = #tpu.dot_dimension_numbers<[1], [0], [0], [1], [0, 0, 1, 1], [], []>, transpose_lhs_hint = false} : vector<2000x128xf32>, vector<128x128xf32>, vector<2000x128xf32> -> vector<2000x128xf32>
    %get3A_24 = arith.constant 0 : index
    %get3A_25 = arith.constant 0 : index
    %get3A_26 = vector.load %arg5[%get3A_24, %get3A_25] : memref<128x128xf32, #tpu.memory_space<vmem>>, vector<128x128xf32>
    %dot_general3A_27 = arith.constant dense<0.000000e+00> : vector<2000x128xf32>
    %dot_general3A_28 = tpu.matmul %add3A_19, %get3A_26, %dot_general3A_27 {dimension_numbers = #tpu.dot_dimension_numbers<[1], [0], [0], [1], [0, 0, 1, 1], [], []>, transpose_lhs_hint = false} : vector<2000x128xf32>, vector<128x128xf32>, vector<2000x128xf32> -> vector<2000x128xf32>
    %add3A_29 = arith.addf %dot_general3A_23, %dot_general3A_28 : vector<2000x128xf32>
    %get3A_30 = arith.constant 0 : index
    %get3A_31 = arith.constant 0 : index
    %get3A_32 = vector.load %arg6[%get3A_30, %get3A_31] : memref<128x384xf32, #tpu.memory_space<vmem>>, vector<128x384xf32>
    %dot_general3A_33 = arith.constant dense<0.000000e+00> : vector<2000x384xf32>
    %dot_general3A_34 = tpu.matmul %add3A_29, %get3A_32, %dot_general3A_33 {dimension_numbers = #tpu.dot_dimension_numbers<[1], [0], [0], [1], [0, 0, 1, 1], [], []>, transpose_lhs_hint = false} : vector<2000x128xf32>, vector<128x384xf32>, vector<2000x384xf32> -> vector<2000x384xf32>
    %get3A_35 = arith.constant 0 : index
    %get3A_36 = arith.constant 0 : index
    %get3A_37 = vector.load %arg8[%get3A_35, %get3A_36] : memref<1x384xf32, #tpu.memory_space<vmem>>, vector<1x384xf32>
    %add3A_38 = vector.broadcast %get3A_37 : vector<1x384xf32> to vector<2000x384xf32>
    %add3A_39 = arith.addf %dot_general3A_34, %add3A_38 : vector<2000x384xf32>
    %get3A_40 = arith.constant 0 : index
    %get3A_41 = arith.constant 0 : index
    %get3A_42 = vector.load %arg3[%get3A_40, %get3A_41] : memref<2000x128xf32, #tpu.memory_space<vmem>>, vector<2000x128xf32>
    %get3A_43 = arith.constant 0 : index
    %get3A_44 = arith.constant 0 : index
    %get3A_45 = vector.load %arg7[%get3A_43, %get3A_44] : memref<128x384xf32, #tpu.memory_space<vmem>>, vector<128x384xf32>
    %dot_general3A_46 = arith.constant dense<0.000000e+00> : vector<2000x384xf32>
    %dot_general3A_47 = tpu.matmul %get3A_42, %get3A_45, %dot_general3A_46 {dimension_numbers = #tpu.dot_dimension_numbers<[1], [0], [0], [1], [0, 0, 1, 1], [], []>, transpose_lhs_hint = false} : vector<2000x128xf32>, vector<128x384xf32>, vector<2000x384xf32> -> vector<2000x384xf32>
    %get3A_48 = arith.constant 0 : index
    %get3A_49 = arith.constant 0 : index
    %get3A_50 = vector.load %arg9[%get3A_48, %get3A_49] : memref<1x384xf32, #tpu.memory_space<vmem>>, vector<1x384xf32>
    %add3A_51 = vector.broadcast %get3A_50 : vector<1x384xf32> to vector<2000x384xf32>
    %add3A_52 = arith.addf %dot_general3A_47, %add3A_51 : vector<2000x384xf32>
    %slice3A = vector.extract_strided_slice %add3A_39 {offsets = [0, 0], sizes = [2000, 128], strides = [1, 1]} : vector<2000x384xf32> to vector<2000x128xf32>
    %slice3A_53 = vector.extract_strided_slice %add3A_52 {offsets = [0, 0], sizes = [2000, 128], strides = [1, 1]} : vector<2000x384xf32> to vector<2000x128xf32>
    %add3A_54 = arith.addf %slice3A, %slice3A_53 : vector<2000x128xf32>
    %logistic3A = arith.negf %add3A_54 : vector<2000x128xf32>
    %logistic3A_55 = math.exp %logistic3A : vector<2000x128xf32>
    %logistic3A_56 = arith.constant 1.000000e+00 : f32
    %logistic3A_57 = vector.broadcast %logistic3A_56 : f32 to vector<2000x128xf32>
    %logistic3A_58 = arith.addf %logistic3A_57, %logistic3A_55 : vector<2000x128xf32>
    %logistic3A_59 = arith.divf %logistic3A_57, %logistic3A_58 : vector<2000x128xf32>
    %slice3A_60 = vector.extract_strided_slice %add3A_39 {offsets = [0, 128], sizes = [2000, 128], strides = [1, 1]} : vector<2000x384xf32> to vector<2000x128xf32>
    %slice3A_61 = vector.extract_strided_slice %add3A_52 {offsets = [0, 128], sizes = [2000, 128], strides = [1, 1]} : vector<2000x384xf32> to vector<2000x128xf32>
    %add3A_62 = arith.addf %slice3A_60, %slice3A_61 : vector<2000x128xf32>
    %logistic3A_63 = arith.negf %add3A_62 : vector<2000x128xf32>
    %logistic3A_64 = math.exp %logistic3A_63 : vector<2000x128xf32>
    %logistic3A_65 = arith.constant 1.000000e+00 : f32
    %logistic3A_66 = vector.broadcast %logistic3A_65 : f32 to vector<2000x128xf32>
    %logistic3A_67 = arith.addf %logistic3A_66, %logistic3A_64 : vector<2000x128xf32>
    %logistic3A_68 = arith.divf %logistic3A_66, %logistic3A_67 : vector<2000x128xf32>
    %slice3A_69 = vector.extract_strided_slice %add3A_39 {offsets = [0, 256], sizes = [2000, 128], strides = [1, 1]} : vector<2000x384xf32> to vector<2000x128xf32>
    %slice3A_70 = vector.extract_strided_slice %add3A_52 {offsets = [0, 256], sizes = [2000, 128], strides = [1, 1]} : vector<2000x384xf32> to vector<2000x128xf32>
    %mul3A = arith.mulf %logistic3A_59, %slice3A_70 : vector<2000x128xf32>
    %add3A_71 = arith.addf %slice3A_69, %mul3A : vector<2000x128xf32>
    %tanh3A = math.tanh %add3A_71 : vector<2000x128xf32>
    %sub3A = arith.constant 1.000000e+00 : f32
    %sub3A_72 = vector.broadcast %sub3A : f32 to vector<2000x128xf32>
    %sub3A_73 = arith.subf %sub3A_72, %logistic3A_68 : vector<2000x128xf32>
    %mul3A_74 = arith.mulf %sub3A_73, %tanh3A : vector<2000x128xf32>
    %get3A_75 = arith.constant 0 : index
    %get3A_76 = arith.constant 0 : index
    %get3A_77 = vector.load %arg3[%get3A_75, %get3A_76] : memref<2000x128xf32, #tpu.memory_space<vmem>>, vector<2000x128xf32>
    %mul3A_78 = arith.mulf %logistic3A_68, %get3A_77 : vector<2000x128xf32>
    %add3A_79 = arith.addf %mul3A_74, %mul3A_78 : vector<2000x128xf32>
    %swap3A = arith.constant 0 : index
    %swap3A_80 = arith.constant 0 : index
    %swap3A_81 = vector.load %arg10[%swap3A, %swap3A_80] : memref<2000x128xf32, #tpu.memory_space<vmem>>, vector<2000x128xf32>
    tpu.vector_store %arg10[%swap3A, %swap3A_80], %add3A_79 {strides = array<i32>} : memref<2000x128xf32, #tpu.memory_space<vmem>>, vector<2000x128xf32>,
    return
  }
  func.func @transform_0(%arg0: i32) -> (i32, i32, i32) {
    %c0_i32 = arith.constant 0 : i32
    %c0_i32_0 = arith.constant 0 : i32
    %c0_i32_1 = arith.constant 0 : i32
    return %c0_i32, %arg0, %c0_i32_0 : i32, i32, i32
  }
  func.func @transform_1(%arg0: i32) -> (i32, i32, i32) {
    %c0_i32 = arith.constant 0 : i32
    %c0_i32_0 = arith.constant 0 : i32
    %c0_i32_1 = arith.constant 0 : i32
    return %c0_i32, %arg0, %c0_i32_0 : i32, i32, i32
  }
  func.func @transform_2(%arg0: i32) -> (i32, i32) {
    %c0_i32 = arith.constant 0 : i32
    %c0_i32_0 = arith.constant 0 : i32
    return %arg0, %c0_i32 : i32, i32
  }
  func.func @transform_3(%arg0: i32) -> (i32, i32) {
    %c0_i32 = arith.constant 0 : i32
    %c0_i32_0 = arith.constant 0 : i32
    %c0_i32_1 = arith.constant 0 : i32
    return %c0_i32, %c0_i32_0 : i32, i32
  }
  func.func @transform_4(%arg0: i32) -> (i32, i32) {
    %c0_i32 = arith.constant 0 : i32
    %c0_i32_0 = arith.constant 0 : i32
    %c0_i32_1 = arith.constant 0 : i32
    return %c0_i32, %c0_i32_0 : i32, i32
  }
  func.func @transform_5(%arg0: i32) -> (i32, i32) {
    %c0_i32 = arith.constant 0 : i32
    %c0_i32_0 = arith.constant 0 : i32
    %c0_i32_1 = arith.constant 0 : i32
    return %c0_i32, %c0_i32_0 : i32, i32
  }
  func.func @transform_6(%arg0: i32) -> (i32, i32) {
    %c0_i32 = arith.constant 0 : i32
    %c0_i32_0 = arith.constant 0 : i32
    %c0_i32_1 = arith.constant 0 : i32
    return %c0_i32, %c0_i32_0 : i32, i32
  }
  func.func @transform_7(%arg0: i32) -> (i32, i32) {
    %c0_i32 = arith.constant 0 : i32
    %c0_i32_0 = arith.constant 0 : i32
    %c0_i32_1 = arith.constant 0 : i32
    return %c0_i32, %c0_i32_0 : i32, i32
  }
  func.func @transform_8(%arg0: i32) -> (i32, i32) {
    %c0_i32 = arith.constant 0 : i32
    %c0_i32_0 = arith.constant 0 : i32
    %c0_i32_1 = arith.constant 0 : i32
    return %c0_i32, %c0_i32_0 : i32, i32
  }
  func.func @transform_9(%arg0: i32) -> (i32, i32) {
    %c0_i32 = arith.constant 0 : i32
    %c0_i32_0 = arith.constant 0 : i32
    return %arg0, %c0_i32 : i32, i32
  }
}

</mosaic_0001>

<sc_bundles>
// kernel: kernel.10.cloned.1.call-start
scs
__scs_entry_jumppad:
0x0: {  	(pc) =	sbr.rel $0x88, $3  }
0x1: {  	(tag) =	ssettag $0x0;
	lr =	simm.s32 $0x1  }
0x2: {  	[smem:$0x3F94] =	sst lr;
	_ =	strace $0xD0000000  }
0x3: {  	_ = 	snop  }
0x4: {  	_ = 	snop  }
0x5: {  	_ = 	snop  }
0x6: {  	_ = 	snop  }
0x7: {  	_ = 	snop  }
__scs_overlays_trampoline_lowered:
0x8: {  	[smem:$0x3FA3] =	sst s0  }
0x9: {  	[smem:$0x3FA4] =	sst s1  }
0xa: {  	[smem:$0x3FA5] =	sst s2  }
0xb: {  	[smem:$0x3FA6] =	sst s3  }
0xc: {  	[smem:$0x3FA7] =	sst s4  }
0xd: {  	[smem:$0x3FA8] =	sst s5  }
0xe: {  	[smem:$0x3FA9] =	sst s6  }
0xf: {  	[smem:$0x3FAA] =	sst s7  }
0x10: {  	[smem:$0x3FAB] =	sst s8  }
0x11: {  	[smem:$0x3FAC] =	sst s9;
	s0 =	simm.s32 @!p0 $0x0  }
0x12: {  	s1 =	sld [smem:$0x3F92];
	s0 =	simm.s32 @p0 $0x1  }
0x13: {  	[smem:$0x3FAD] =	sst s0;
	s0 =	simm.s32 @!p1 $0x0  }
0x14: {  	s2 =	sld [smem:$0x3F91];
	s0 =	simm.s32 @p1 $0x1  }
0x15: {  	[smem:$0x3FAE] =	sst s0;
	s0 =	simm.s32 @!p2 $0x0  }
0x16: {  	s3 =	sld [smem:$0x3FDB];
	s0 =	simm.s32 @p2 $0x1  }
0x17: {  	s4 =	simm.s32 $0x1BF5;
	[smem:$0x3FB0] =	sst s0  }
0x18: {  	s0 =	sld [smem:$0x3F93];
	_ =	swait.ge [sflag:s4], $0x0  }
0x19: {  	s7 =	sld [smem:$0x3F94]  }
0x1a: {  	s8 =	sadd.s32 $0xFFFFE003, lr  }
0x1b: {  	s9 =	sadd.s32 $0xFFFFFEF7, lr;
	s5 =	simm.s32 $0xFFFFFFFF;
	p2 =	slt.u32 s8, $0xFFFFF086  }
0x1c: {  	p1 =	slt.u32 s9, $0xF7A;
	s5 =	simm.s32 @!p2 $0x0  }
0x1d: {  	s5 =	simm.s32 @p1 $0x1;
	p0 =	seq.s32 s7, s2  }
0x1e: {  	s7 =	smul.u32 @!p0 $0xF7A, s2;
	p2 =	seq.s32 @!p0 s5, $0x0  }
0x1f: {  	s9 =	smul.u32 $0xF7A, s1;
	s8 =	simm.s32 @!p0 $0x1BF5;
	p2 =	por !p2, p0  }
0x20: {  	[sflag:s8] =	ssyncset.s32 @!p0 $0xFFFFF086;
	s6 =	sadd.s32 @!p0 s3, s7;
	s7 =	simm.s32 @!p0 $0x108  }
0x21: {  	s3 =	sadd.s32 s3, s9;
	s6 =	sadd.s32 @!p0 $0x88, s6;
	s7 =	simm.s32 @p2 $0x1082  }
0x22: {  	[simem:s7], [sflag:s8] =	dma.local @!p0 [hbm:s6], $0xF7A  }
0x23: {  	s9 =	sor.u32 $0xD0000000, s2;
	s6 =	simm.s32 $0x108;
	_ =	swait.ge @!p0 [sflag:s8], $0x0  }
0x24: {  	s3 =	sadd.s32 $0x88, s3;
	s6 =	simm.s32 @!p1 $0x1082;
	[sflag:s4] =	ssyncset.s32 $0xFFFFF086  }
0x25: {  	[simem:s6], [sflag:s4] =	dma.local [hbm:s3], $0xF7A  }
0x26: {  	[smem:$0x3F94] =	sst s1;
	(tag) =	ssettag s2;
	_ =	strace s9  }
0x27: {  	s1 =	sld [smem:$0x3FA4]  }
0x28: {  	s2 =	sld [smem:$0x3FA5]  }
0x29: {  	s4 =	sld [smem:$0x3FA7]  }
0x2a: {  	p0 =	seq.s32 s5, $0x0;
	s5 =	sld [smem:$0x3FA8]  }
0x2b: {  	s6 =	sld [smem:$0x3FA9]  }
0x2c: {  	s7 =	sld [smem:$0x3FAA]  }
0x2d: {  	s3 =	simm.s32 $0x108;
	s8 =	sld [smem:$0x3FAB]  }
0x2e: {  	s3 =	simm.s32 @!p0 $0x1082;
	s9 =	sld [smem:$0x3FAC]  }
0x2f: {  	lr =	sadd.s32 s0, s3;
	s0 =	sld [smem:$0x3FA3]  }
0x30: {  	s3 =	sld [smem:$0x3FA6]  }
0x31: {  	[smem:$0x3FAF] =	sst s10  }
0x32: {  	s10 =	sld [smem:$0x3FAD];
	_ =	sdelay $0x3  }
0x33: {  	p0 =	seq.s32 s10, $0x1;
	s10 =	sld [smem:$0x3FAF];
	_ =	sdelay $0x3  }
0x34: {  	[smem:$0x3FAF] =	sst s10  }
0x35: {  	s10 =	sld [smem:$0x3FAE];
	_ =	sdelay $0x3  }
0x36: {  	p1 =	seq.s32 s10, $0x1;
	s10 =	sld [smem:$0x3FAF];
	_ =	sdelay $0x3  }
0x37: {  	[smem:$0x3FAF] =	sst s10  }
0x38: {  	s10 =	sld [smem:$0x3FB0]  }
0x39: {  	_ = 	snop;
	(pc) =	sbr.ind lr, $3  }
0x3a: {  	_ = 	snop  }
0x3b: {  	_ = 	snop  }
0x3c: {  	p2 =	seq.s32 s10, $0x1;
	s10 =	sld [smem:$0x3FAF]  }
0x3d: {  	_ =	shalt  }
0x3e: {  	_ =	shalt  }
0x3f: {  	_ =	shalt  }
0x40: {  	_ =	shalt  }
0x41: {  	_ =	shalt  }
0x42: {  	_ =	shalt  }
0x43: {  	_ =	shalt  }
0x44: {  	_ =	shalt  }
0x45: {  	_ =	shalt  }
0x46: {  	_ =	shalt  }
0x47: {  	_ =	shalt  }
0x48: {  	_ =	shalt  }
0x49: {  	_ =	shalt  }
0x4a: {  	_ =	shalt  }
0x4b: {  	_ =	shalt  }
0x4c: {  	_ =	shalt  }
0x4d: {  	_ =	shalt  }
0x4e: {  	_ =	shalt  }
0x4f: {  	_ =	shalt  }
0x50: {  	_ =	shalt  }
0x51: {  	_ =	shalt  }
0x52: {  	_ =	shalt  }
0x53: {  	_ =	shalt  }
0x54: {  	_ =	shalt  }
0x55: {  	_ =	shalt  }
0x56: {  	_ =	shalt  }
0x57: {  	_ =	shalt  }
0x58: {  	_ =	shalt  }
0x59: {  	_ =	shalt  }
0x5a: {  	_ =	shalt  }
0x5b: {  	_ =	shalt  }
0x5c: {  	_ =	shalt  }
0x5d: {  	_ =	shalt  }
0x5e: {  	_ =	shalt  }
0x5f: {  	_ =	shalt  }
0x60: {  	_ =	shalt  }
0x61: {  	_ =	shalt  }
0x62: {  	_ =	shalt  }
0x63: {  	_ =	shalt  }
0x64: {  	_ =	shalt  }
0x65: {  	_ =	shalt  }
0x66: {  	_ =	shalt  }
0x67: {  	_ =	shalt  }
0x68: {  	_ =	shalt  }
0x69: {  	_ =	shalt  }
0x6a: {  	_ =	shalt  }
0x6b: {  	_ =	shalt  }
0x6c: {  	_ =	shalt  }
0x6d: {  	_ =	shalt  }
0x6e: {  	_ =	shalt  }
0x6f: {  	_ =	shalt  }
0x70: {  	_ =	shalt  }
0x71: {  	_ =	shalt  }
0x72: {  	_ =	shalt  }
0x73: {  	_ =	shalt  }
0x74: {  	_ =	shalt  }
0x75: {  	_ =	shalt  }
0x76: {  	_ =	shalt  }
0x77: {  	_ =	shalt  }
0x78: {  	_ =	shalt  }
0x79: {  	_ =	shalt  }
0x7a: {  	_ =	shalt  }
0x7b: {  	_ =	shalt  }
0x7c: {  	_ =	shalt  }
0x7d: {  	_ =	shalt  }
0x7e: {  	_ =	shalt  }
0x7f: {  	_ =	shalt  }
0x80: {  	_ =	shalt  }
0x81: {  	_ =	shalt  }
0x82: {  	_ =	shalt  }
0x83: {  	_ =	shalt  }
0x84: {  	_ =	shalt  }
0x85: {  	_ =	shalt  }
0x86: {  	_ =	shalt  }
0x87: {  	_ =	shalt  }
.Lfunc_end0:
.L_simem_size_0:
called_computation.1_lowered:
.L_overlay_start_0:
0x88: {  	s2 =	sld [smem:$0x3FD9]  }
0x89: {  	s3 =	sld [smem:$0x3FFE];
	_ =	sdelay $0x1  }
0x8a: {  	s1 =	srdreg.scid  }
0x8b: {  	s0 =	sand.u32 $0x1, s1  }
0x8c: {  	s17 =	sshll.u32 s0, $0xA;
	s2 =	sadd.s32 s3, s2  }
0x8d: {  	s2 =	sadd.s32 s2, s17  }
0x8e: {  	[smem:$0x3FBB] =	sst s2  }
0x8f: {  	_ = 	snop  }
0x90: {  	s2 =	sld [smem:$0x3FC9];
	(tm) =	ssettm $0x1  }
0x91: {  	s18 =	sld [smem:$0x3FFB];
	_ =	sdelay $0x3  }
0x92: {  	_ =	strace s18  }
0x93: {  	s3 =	sld [smem:$0x3FFC];
	_ =	sdelay $0x3  }
0x94: {  	_ =	strace s3  }
0x95: {  	s3 =	sld [smem:$0x3FFD];
	_ =	sdelay $0x3  }
0x96: {  	_ =	strace s3  }
0x97: {  	_ =	strace $0x8FFFFFFF  }
0x98: {  	s19 =	sld [smem:$0x3FDB];
	_ =	sdelay $0x1  }
0x99: {  	s4 =	simm.s32 $_scs_section_size  }
0x9a: {  	s5 =	simm.s32 $_size__tile_overlayer_lowered;
	s6 =	simm.s32 $_tile_overlayer_lowered  }
0x9b: {  	s22 =	simm.s32 $0x1BFF;
	s21 =	sshll.u32 s6, $0x1;
	s3 =	sadd.s32 s4, s19  }
0x9c: {  	s7 =	simm.s32 $0x0;
	s20 =	sshll.u32 s5, $0x1;
	s5 =	sadd.s32 s21, s3  }
0x9d: {  	[timem:s7], [sflag:s22] =	dma.local [hbm:s5], s20  }
0x9e: {  	_ =	swait.ge [sflag:s22], s20  }
0x9f: {  	s4 =	ssub.s32 $0x0, s20;
	[sflag:s22] =	ssyncset.done $0x0  }
0xa0: {  	[sflag:s22] =	ssyncadd.s32 s4;
	_ =	sdelay $0x1  }
0xa1: {  	s23 =	simm.s32 $0x1B8B  }
0xa2: {  	_ =	swait.ge [sflag:s23], $0x1  }
0xa3: {  	[sflag:s23] =	ssyncset.done $0x0  }
0xa4: {  	s25 =	simm.s32 $0x1B8E;
	s24 =	sld [smem:$0x3FFE];
	[sflag:s23] =	ssyncadd.s32 $0xFFFFFFFF  }
0xa5: {  	s26 =	simm.s32 $execute0_lowered;
	[smem:$0x3FD2] =	sst s25  }
0xa6: {  	s5 =	sshll.u32 s26, $0x1;
	_ =	strace $0x80000046;
	[dreg:$0x1] =	wrdreg $0xFFFFFFFF  }
0xa7: {  	s28 =	simm.s32 $_size_execute0_lowered;
	s3 =	sadd.s32 s3, s5;
	[dreg:$0x0] =	wrdreg $0x0  }
0xa8: {  	s5 =	sshll.u32 s28, $0x1;
	[dreg:$0x2] =	wrdreg s3  }
0xa9: {  	[dreg:$0x3] =	wrdreg s5  }
0xaa: {  	[dreg:$0x4] =	wrdreg $0xC0  }
0xab: {  	_ =	task [dreg:s7], $0x5FFFF  }
0xac: {  	[dreg:$0x1] =	wrdreg $0xFFFFFFFF  }
0xad: {  	[dreg:$0x0] =	wrdreg $0x60  }
0xae: {  	[dreg:$0x2] =	wrdreg s2  }
0xaf: {  	[dreg:$0x3] =	wrdreg s24  }
0xb0: {  	[dreg:$0x4] =	wrdreg $0x0  }
0xb1: {  	[dreg:$0x5] =	wrdreg $0xA  }
0xb2: {  	_ =	task.clear_ibuf [dreg:s7], $0x6FFFF;
	_ =	strace $0x90000046  }
0xb3: {  	s29 =	simm.s32 $0xA;
	_ =	strace $0x80000048  }
0xb4: {  	_ =	swait.ge [sflag:s29], $0x1  }
0xb5: {  	[sflag:s29] =	ssyncadd.s32 $0xFFFFFFFF  }
0xb6: {  	_ =	strace $0x90000048  }
0xb7: {  	_ =	sfence  }
0xb8: {  	s30 =	sld [smem:$0x0];
	_ =	sdelay $0x2  }
0xb9: {  	s31 =	sshll.u32 s1, $0xD;
	s1 =	sshrl.u32 s1, $0x2  }
0xba: {  	s3 =	sand.u32 $0x4000, s31;
	s1 =	sadd.s32 s1, s30  }
0xbb: {  	s0 =	sor.u32 s3, s0;
	s1 =	sshll.u32 s1, $0x11  }
0xbc: {  	s0 =	sor.u32 s1, s0  }
0xbd: {  	s0 =	sadd.s32 $0x8F2B, s0  }
0xbe: {  	[sflag:s0] =	ssyncadd.remote.s32 $0x1  }
0xbf: {  	_ =	sfence.sel $0xFFFF  }
0xc0: {  	[dreg:$0x0] =	wrdreg $0xFFFFFFFF;
	(pc) =	sbr.abs _section_cstart, $3  }
0xc1: {  	[dreg:$0x1] =	wrdreg $0xFFFFFFFF  }
0xc2: {  	_ =	task.clear_ibuf [dreg:s7], $0x2FFFF;
	_ =	strace $0x9FFFFFFF  }
0xc3: {  	(tm) =	ssettm $0x7FFFFFFF  }
tec
execute0_lowered:
.L_overlay_start_1:
0x0: {  	(tag) =	ssettag $0x1  }
0x1: {  	s1 =	rddreg [dreg:$0x0];
	s0 =	srdreg.scid  }
0x2: {  	s2 =	rddreg [dreg:$0x1];
	s8 =	stileid.u32  }
0x3: {  	s3 =	rddreg [dreg:$0x2];
	s6 =	smul.u32 $0x2710, s8  }
0x4: {  	s4 =	simm.s32 $0x0;
	s29 =	simm.s32 $0x16900;
	s7 =	smul.u32 $0x280, s8  }
0x5: {  	s30 =	simm.s32 $0x2;
	s0 =	sand.u32 $0x1, s0;
	s8 =	smul.u32 $0x50000, s8  }
0x6: {  	s31 =	simm.s32 $0x14080;
	s15 =	simm.s32 $0x0;
	s5 =	smul.u32 $0x27100, s0  }
0x7: {  	[smem:$0x7FF] =	sst s4;
	s16 =	smul.u32 $0x2800, s0;
	s0 =	ssub.s32 $0x2, s0  }
0x8: {  	_ =	strace $0x80000047;
	s18 =	sshrl.u32 s0, $0x1;
	s19 =	sshrl.u32 s8, $0x2  }
0x9: {  	s5 =	sadd.s32 s6, s5;
	s17 =	sadd.s32 s7, s16;
	s0 =	ssub.s32 s0, s18  }
0xa: {  	s6 =	simm.s32 $0x14100;
	s5 =	sshrl.u32 s5, $0x3;
	s0 =	smax.u32 s0, $0x1  }
0xb: {  	s14 =	sadd.s32 s5, s2;
	s5 =	sshll.u32 s17, $0x4;
	[dreg:$0x4] =	wrdreg s0  }
0xc: {  	s0 =	simm.s32 $0x50;
	s2 =	sadd.s32 s5, s2;
	s5 =	sadd.s32 s19, s3  }
0xd: {  	s7 =	sadd.s32 $0x2000, s5;
	s8 =	sadd.s32 $0x4000, s5;
	s20 =	sadd.s32 $0x17200, s2  }
0xe: {  	s9 =	sadd.s32 $0x6000, s5;
	s21 =	sadd.s32 $0x17600, s2;
	[dreg:$0x5] =	wrdreg s20  }
0xf: {  	s10 =	sadd.s32 $0x8000, s5;
	s22 =	sadd.s32 $0x17A00, s2;
	[dreg:$0x6] =	wrdreg s21  }
0x10: {  	s11 =	sadd.s32 $0xA000, s5;
	s23 =	sadd.s32 $0x17E00, s2;
	[dreg:$0x7] =	wrdreg s22  }
0x11: {  	s12 =	sadd.s32 $0xC000, s5;
	s24 =	sadd.s32 $0x18200, s2;
	[dreg:$0x8] =	wrdreg s23  }
0x12: {  	s13 =	sadd.s32 $0xE000, s5;
	s25 =	sadd.s32 $0x18600, s2;
	[dreg:$0x9] =	wrdreg s24  }
0x13: {  	s26 =	sadd.s32 $0x18A00, s2;
	s28 =	sadd.s32 $0x12000, s5;
	[dreg:$0xa] =	wrdreg s25  }
0x14: {  	[dreg:$0xb] =	wrdreg s26;
	s21 =	sadd.s32 $0x18E00, s2;
	s22 =	sadd.s32 $0x19200, s2  }
0x15: {  	s23 =	sadd.s32 $0x19600, s2;
	s24 =	sadd.s32 $0xD400, s14;
	s25 =	sadd.s32 $0x3600, s14  }
0x16: {  	v0 =	vimm.f32 $0.0e+00;
	s26 =	sadd.s32 $0x10000, s5;
	s2 =	simm.s32 $0x14000;
	s14 =	simm.s32 $0x1  }
.LBB2_1:
0x17: {  	s16 =	simm.s32 $0x0;
	s17 =	simm.s32 $0x200  }
.LBB2_2:
0x18: {  	p0 =	sne.s32 s17, $0x7E00;
	[tilespmem:s16+$0x16970] =	vst v0  }
0x19: {  	[tilespmem:s16+$0x16900] =	vst v0  }
0x1a: {  	[tilespmem:s16+$0x16910] =	vst v0  }
.Ltmp0:
0x1b: {  	[tilespmem:s16+$0x16920] =	vst v0;
	(pc) =	sbr.rel @p0 .LBB2_2-.Ltmp0, $4  }
0x1c: {  	[tilespmem:s16+$0x16930] =	vst v0  }
0x1d: {  	[tilespmem:s16+$0x16940] =	vst v0  }
0x1e: {  	[tilespmem:s16+$0x16950] =	vst v0  }
0x1f: {  	[tilespmem:s16+$0x16960] =	vst v0;
	s16 =	sshra.s32 s17, $0x2;
	s17 =	sadd.s32 $0x200, s17  }
0x20: {  	[tilespmem:s16+$0x16970] =	vst v0  }
0x21: {  	[tilespmem:s16+$0x16900] =	vst v0  }
0x22: {  	[tilespmem:s16+$0x16910] =	vst v0  }
0x23: {  	[tilespmem:s16+$0x16920] =	vst v0  }
0x24: {  	[tilespmem:s16+$0x16930] =	vst v0  }
0x25: {  	[tilespmem:s16+$0x16940] =	vst v0  }
0x26: {  	[tilespmem:s16+$0x16950] =	vst v0  }
0x27: {  	[tilespmem:s16+$0x16960] =	vst v0  }
0x28: {  	[spmem:s5] =	stream.linear.scatter [tilespmem:s29], [sflag:$0x2], $0x2000, $0x38;
	[tilespmem:$0x18900] =	vst v63  }
0x29: {  	_ =	swait.ge [sflag:s30], $0x2000  }
0x2a: {  	[sflag:s30] =	ssyncset.done $0x0  }
0x2b: {  	[sflag:s30] =	ssyncadd.s32 $0xFFFFE000  }
0x2c: {  	[spmem:s7] =	stream.linear.scatter [tilespmem:s29], [sflag:$0x2], $0x2000, $0x38;
	[tilespmem:$0x18900] =	vst v63  }
0x2d: {  	_ =	swait.ge [sflag:s30], $0x2000  }
0x2e: {  	[sflag:s30] =	ssyncset.done $0x0  }
0x2f: {  	[sflag:s30] =	ssyncadd.s32 $0xFFFFE000  }
0x30: {  	[spmem:s8] =	stream.linear.scatter [tilespmem:s29], [sflag:$0x2], $0x2000, $0x38;
	[tilespmem:$0x18900] =	vst v63  }
0x31: {  	_ =	swait.ge [sflag:s30], $0x2000  }
0x32: {  	[sflag:s30] =	ssyncset.done $0x0  }
0x33: {  	[sflag:s30] =	ssyncadd.s32 $0xFFFFE000  }
0x34: {  	[spmem:s9] =	stream.linear.scatter [tilespmem:s29], [sflag:$0x2], $0x2000, $0x38;
	[tilespmem:$0x18900] =	vst v63  }
0x35: {  	_ =	swait.ge [sflag:s30], $0x2000  }
0x36: {  	[sflag:s30] =	ssyncset.done $0x0  }
0x37: {  	[sflag:s30] =	ssyncadd.s32 $0xFFFFE000  }
0x38: {  	[spmem:s10] =	stream.linear.scatter [tilespmem:s29], [sflag:$0x2], $0x2000, $0x38;
	[tilespmem:$0x18900] =	vst v63  }
0x39: {  	_ =	swait.ge [sflag:s30], $0x2000  }
0x3a: {  	[sflag:s30] =	ssyncset.done $0x0  }
0x3b: {  	[sflag:s30] =	ssyncadd.s32 $0xFFFFE000  }
0x3c: {  	[spmem:s11] =	stream.linear.scatter [tilespmem:s29], [sflag:$0x2], $0x2000, $0x38;
	[tilespmem:$0x18900] =	vst v63  }
0x3d: {  	_ =	swait.ge [sflag:s30], $0x2000  }
0x3e: {  	[sflag:s30] =	ssyncset.done $0x0  }
0x3f: {  	[sflag:s30] =	ssyncadd.s32 $0xFFFFE000  }
0x40: {  	[spmem:s12] =	stream.linear.scatter [tilespmem:s29], [sflag:$0x2], $0x2000, $0x38;
	[tilespmem:$0x18900] =	vst v63  }
0x41: {  	_ =	swait.ge [sflag:s30], $0x2000  }
0x42: {  	[sflag:s30] =	ssyncset.done $0x0  }
0x43: {  	[sflag:s30] =	ssyncadd.s32 $0xFFFFE000  }
0x44: {  	[spmem:s13] =	stream.linear.scatter [tilespmem:s29], [sflag:$0x2], $0x2000, $0x38;
	[tilespmem:$0x18900] =	vst v63  }
0x45: {  	_ =	swait.ge [sflag:s30], $0x2000  }
0x46: {  	[sflag:s30] =	ssyncset.done $0x0  }
0x47: {  	[sflag:s30] =	ssyncadd.s32 $0xFFFFE000  }
0x48: {  	[spmem:s26] =	stream.linear.scatter [tilespmem:s29], [sflag:$0x2], $0x2000, $0x38;
	[tilespmem:$0x18900] =	vst v63  }
0x49: {  	_ =	swait.ge [sflag:s30], $0x2000  }
0x4a: {  	[sflag:s30] =	ssyncset.done $0x0  }
0x4b: {  	[sflag:s30] =	ssyncadd.s32 $0xFFFFE000  }
0x4c: {  	[spmem:s28] =	stream.linear.scatter [tilespmem:s29], [sflag:$0x2], $0x2000, $0x38;
	[tilespmem:$0x18900] =	vst v63  }
0x4d: {  	_ =	swait.ge [sflag:s30], $0x2000  }
0x4e: {  	[sflag:s30] =	ssyncset.done $0x0  }
0x4f: {  	[sflag:s30] =	ssyncadd.s32 $0xFFFFE000  }
0x50: {  	s19 =	sadd.s32 $0x0, s25;
	[bflag:$0x0] =	sbarrier.arrive $0xFFFF  }
0x51: {  	[tilespmem:s31], [sflag:$0x2] =	stream.linear.gather [hbm4b:s19+s4], $0x50, $0x38;
	[tilespmem:$0x18900] =	vst v63  }
0x52: {  	_ =	swait.ge [sflag:s30], $0x50  }
0x53: {  	[sflag:s30] =	ssyncset.done $0x0  }
0x54: {  	s20 =	sadd.s32 $0x0, s24;
	[sflag:s30] =	ssyncadd.s32 $0xFFFFFFB0  }
0x55: {  	[tilespmem:s2], [sflag:$0x2] =	stream.linear.gather [hbm4b:s20+s4], $0x50, $0x38;
	[tilespmem:$0x18900] =	vst v63  }
0x56: {  	_ =	swait.ge [sflag:s30], $0x50  }
0x57: {  	[sflag:s30] =	ssyncset.done $0x0  }
0x58: {  	[sflag:s30] =	ssyncadd.s32 $0xFFFFFFB0  }
0x59: {  	[tilespmem:s6], [sflag:$0x1] =	stream.indirect.gather [hbm4b:s1+s0], $0x80, s2, s0, $0xb8;
	[tilespmem:$0x18900] =	vst v63  }
0x5a: {  	_ =	swait.ge [sflag:s14], $0x2800  }
0x5b: {  	[sflag:s14] =	ssyncset.done $0x0  }
0x5c: {  	[sflag:s14] =	ssyncadd.s32 $0xFFFFD800  }
0x5d: {  	[spmem:s3] =	stream.indirect.scatter.add.f32 [tilespmem:s6], [sflag:$0x2], $0x80, s31, s0, $0xb8;
	[tilespmem:$0x18900] =	vst v63  }
0x5e: {  	_ =	swait.ge [sflag:s30], $0x2800  }
0x5f: {  	s16 =	simm.s32 $0xA;
	s17 =	simm.s32 $0x14;
	[sflag:s30] =	ssyncset.done $0x0  }
.LBB2_4:
0x60: {  	s18 =	sadd.s32 s16, s25  }
0x61: {  	[sflag:s30] =	ssyncadd.s32 $0xFFFFD800;
	s19 =	smov.u32 s17;
	s20 =	sadd.s32 $0xA, s17  }
0x62: {  	[tilespmem:s31], [sflag:$0x2] =	stream.linear.gather [hbm4b:s18+s4], $0x50, $0x38;
	[tilespmem:$0x18900] =	vst v63  }
0x63: {  	p0 =	sne.s32 s17, $0x4D8;
	_ =	swait.ge [sflag:s30], $0x50  }
0x64: {  	[sflag:s30] =	ssyncset.done $0x0  }
0x65: {  	s17 =	sadd.s32 s16, s24;
	s16 =	smov.u32 s19;
	[sflag:s30] =	ssyncadd.s32 $0xFFFFFFB0  }
0x66: {  	[tilespmem:s2], [sflag:$0x2] =	stream.linear.gather [hbm4b:s17+s4], $0x50, $0x38;
	[tilespmem:$0x18900] =	vst v63  }
0x67: {  	_ =	swait.ge [sflag:s30], $0x50  }
0x68: {  	[sflag:s30] =	ssyncset.done $0x0  }
0x69: {  	[sflag:s30] =	ssyncadd.s32 $0xFFFFFFB0  }
0x6a: {  	[tilespmem:s6], [sflag:$0x1] =	stream.indirect.gather [hbm4b:s1+s0], $0x80, s2, s0, $0xb8;
	[tilespmem:$0x18900] =	vst v63  }
0x6b: {  	_ =	swait.ge [sflag:s14], $0x2800  }
.Ltmp1:
0x6c: {  	[sflag:s14] =	ssyncset.done $0x0;
	(pc) =	sbr.rel @p0 .LBB2_4-.Ltmp1, $4  }
0x6d: {  	[sflag:s14] =	ssyncadd.s32 $0xFFFFD800  }
0x6e: {  	[spmem:s3] =	stream.indirect.scatter.add.f32 [tilespmem:s6], [sflag:$0x2], $0x80, s31, s0, $0xb8;
	[tilespmem:$0x18900] =	vst v63  }
0x6f: {  	_ =	swait.ge [sflag:s30], $0x2800  }
0x70: {  	s17 =	smov.u32 s20;
	[sflag:s30] =	ssyncset.done $0x0  }
0x71: {  	s17 =	sadd.s32 s16, s25;
	[sflag:s30] =	ssyncadd.s32 $0xFFFFD800  }
0x72: {  	[tilespmem:s31], [sflag:$0x2] =	stream.linear.gather [hbm4b:s17+s4], $0x50, $0x38;
	[tilespmem:$0x18900] =	vst v63  }
0x73: {  	_ =	swait.ge [sflag:s30], $0x50  }
0x74: {  	[sflag:s30] =	ssyncset.done $0x0  }
0x75: {  	s20 =	sadd.s32 s16, s24;
	[sflag:s30] =	ssyncadd.s32 $0xFFFFFFB0  }
0x76: {  	[tilespmem:s2], [sflag:$0x2] =	stream.linear.gather [hbm4b:s20+s4], $0x50, $0x38;
	[tilespmem:$0x18900] =	vst v63  }
0x77: {  	_ =	swait.ge [sflag:s30], $0x50  }
0x78: {  	[sflag:s30] =	ssyncset.done $0x0  }
0x79: {  	[sflag:s30] =	ssyncadd.s32 $0xFFFFFFB0  }
0x7a: {  	[tilespmem:s6], [sflag:$0x1] =	stream.indirect.gather [hbm4b:s1+s0], $0x80, s2, s0, $0xb8;
	[tilespmem:$0x18900] =	vst v63  }
0x7b: {  	_ =	swait.ge [sflag:s14], $0x2800  }
0x7c: {  	[sflag:s14] =	ssyncset.done $0x0  }
0x7d: {  	[sflag:s14] =	ssyncadd.s32 $0xFFFFD800  }
0x7e: {  	[spmem:s3] =	stream.indirect.scatter.add.f32 [tilespmem:s6], [sflag:$0x2], $0x80, s31, s0, $0xb8;
	[tilespmem:$0x18900] =	vst v63  }
0x7f: {  	_ =	swait.ge [sflag:s30], $0x2800  }
0x80: {  	[sflag:s30] =	ssyncset.done $0x0  }
0x81: {  	[sflag:s30] =	ssyncadd.s32 $0xFFFFD800  }
0x82: {  	[bflag:$0x0] =	sbarrier.arrive $0xFFFF  }
0x83: {  	[tilespmem:s29], [sflag:$0x2] =	stream.linear.gather [spmem:s5], $0x2000, $0x38;
	[tilespmem:$0x18900] =	vst v63  }
0x84: {  	_ =	swait.ge [sflag:s30], $0x2000  }
0x85: {  	[sflag:s30] =	ssyncset.done $0x0  }
0x86: {  	s17 =	rddreg [dreg:$0x5];
	[sflag:s30] =	ssyncadd.s32 $0xFFFFE000  }
0x87: {  	[hbm4b:s17+s4] =	stream.linear.scatter [tilespmem:s29], [sflag:$0x2], $0x2000, $0x38;
	[tilespmem:$0x18900] =	vst v63  }
0x88: {  	_ =	swait.ge [sflag:s30], $0x2000  }
0x89: {  	[sflag:s30] =	ssyncset.done $0x0  }
0x8a: {  	[sflag:s30] =	ssyncadd.s32 $0xFFFFE000  }
0x8b: {  	[tilespmem:s29], [sflag:$0x2] =	stream.linear.gather [spmem:s7], $0x2000, $0x38;
	[tilespmem:$0x18900] =	vst v63  }
0x8c: {  	_ =	swait.ge [sflag:s30], $0x2000  }
0x8d: {  	[sflag:s30] =	ssyncset.done $0x0  }
0x8e: {  	s18 =	rddreg [dreg:$0x6];
	[sflag:s30] =	ssyncadd.s32 $0xFFFFE000  }
0x8f: {  	[hbm4b:s18+s4] =	stream.linear.scatter [tilespmem:s29], [sflag:$0x2], $0x2000, $0x38;
	[tilespmem:$0x18900] =	vst v63  }
0x90: {  	_ =	swait.ge [sflag:s30], $0x2000  }
0x91: {  	[sflag:s30] =	ssyncset.done $0x0  }
0x92: {  	[sflag:s30] =	ssyncadd.s32 $0xFFFFE000  }
0x93: {  	[tilespmem:s29], [sflag:$0x2] =	stream.linear.gather [spmem:s8], $0x2000, $0x38;
	[tilespmem:$0x18900] =	vst v63  }
0x94: {  	_ =	swait.ge [sflag:s30], $0x2000  }
0x95: {  	[sflag:s30] =	ssyncset.done $0x0  }
0x96: {  	s19 =	rddreg [dreg:$0x7];
	[sflag:s30] =	ssyncadd.s32 $0xFFFFE000  }
0x97: {  	[hbm4b:s19+s4] =	stream.linear.scatter [tilespmem:s29], [sflag:$0x2], $0x2000, $0x38;
	[tilespmem:$0x18900] =	vst v63  }
0x98: {  	_ =	swait.ge [sflag:s30], $0x2000  }
0x99: {  	[sflag:s30] =	ssyncset.done $0x0  }
0x9a: {  	[sflag:s30] =	ssyncadd.s32 $0xFFFFE000  }
0x9b: {  	[tilespmem:s29], [sflag:$0x2] =	stream.linear.gather [spmem:s9], $0x2000, $0x38;
	[tilespmem:$0x18900] =	vst v63  }
0x9c: {  	_ =	swait.ge [sflag:s30], $0x2000  }
0x9d: {  	[sflag:s30] =	ssyncset.done $0x0  }
0x9e: {  	s20 =	rddreg [dreg:$0x8];
	[sflag:s30] =	ssyncadd.s32 $0xFFFFE000  }
0x9f: {  	[hbm4b:s20+s4] =	stream.linear.scatter [tilespmem:s29], [sflag:$0x2], $0x2000, $0x38;
	[tilespmem:$0x18900] =	vst v63  }
0xa0: {  	_ =	swait.ge [sflag:s30], $0x2000  }
0xa1: {  	[sflag:s30] =	ssyncset.done $0x0  }
0xa2: {  	[sflag:s30] =	ssyncadd.s32 $0xFFFFE000  }
0xa3: {  	[tilespmem:s29], [sflag:$0x2] =	stream.linear.gather [spmem:s10], $0x2000, $0x38;
	[tilespmem:$0x18900] =	vst v63  }
0xa4: {  	_ =	swait.ge [sflag:s30], $0x2000  }
0xa5: {  	[sflag:s30] =	ssyncset.done $0x0  }
0xa6: {  	s17 =	rddreg [dreg:$0x9];
	[sflag:s30] =	ssyncadd.s32 $0xFFFFE000  }
0xa7: {  	[hbm4b:s17+s4] =	stream.linear.scatter [tilespmem:s29], [sflag:$0x2], $0x2000, $0x38;
	[tilespmem:$0x18900] =	vst v63  }
0xa8: {  	_ =	swait.ge [sflag:s30], $0x2000  }
0xa9: {  	[sflag:s30] =	ssyncset.done $0x0  }
0xaa: {  	[sflag:s30] =	ssyncadd.s32 $0xFFFFE000  }
0xab: {  	[tilespmem:s29], [sflag:$0x2] =	stream.linear.gather [spmem:s11], $0x2000, $0x38;
	[tilespmem:$0x18900] =	vst v63  }
0xac: {  	_ =	swait.ge [sflag:s30], $0x2000  }
0xad: {  	[sflag:s30] =	ssyncset.done $0x0  }
0xae: {  	s18 =	rddreg [dreg:$0xa];
	[sflag:s30] =	ssyncadd.s32 $0xFFFFE000  }
0xaf: {  	[hbm4b:s18+s4] =	stream.linear.scatter [tilespmem:s29], [sflag:$0x2], $0x2000, $0x38;
	[tilespmem:$0x18900] =	vst v63  }
0xb0: {  	_ =	swait.ge [sflag:s30], $0x2000  }
0xb1: {  	[sflag:s30] =	ssyncset.done $0x0  }
0xb2: {  	[sflag:s30] =	ssyncadd.s32 $0xFFFFE000  }
0xb3: {  	[tilespmem:s29], [sflag:$0x2] =	stream.linear.gather [spmem:s12], $0x2000, $0x38;
	[tilespmem:$0x18900] =	vst v63  }
0xb4: {  	_ =	swait.ge [sflag:s30], $0x2000  }
0xb5: {  	[sflag:s30] =	ssyncset.done $0x0  }
0xb6: {  	s19 =	rddreg [dreg:$0xb];
	[sflag:s30] =	ssyncadd.s32 $0xFFFFE000  }
0xb7: {  	[hbm4b:s19+s4] =	stream.linear.scatter [tilespmem:s29], [sflag:$0x2], $0x2000, $0x38;
	[tilespmem:$0x18900] =	vst v63  }
0xb8: {  	_ =	swait.ge [sflag:s30], $0x2000  }
0xb9: {  	[sflag:s30] =	ssyncset.done $0x0  }
0xba: {  	[sflag:s30] =	ssyncadd.s32 $0xFFFFE000  }
0xbb: {  	[tilespmem:s29], [sflag:$0x2] =	stream.linear.gather [spmem:s13], $0x2000, $0x38;
	[tilespmem:$0x18900] =	vst v63  }
0xbc: {  	_ =	swait.ge [sflag:s30], $0x2000  }
0xbd: {  	[sflag:s30] =	ssyncset.done $0x0  }
0xbe: {  	[sflag:s30] =	ssyncadd.s32 $0xFFFFE000  }
0xbf: {  	[hbm4b:s21+s4] =	stream.linear.scatter [tilespmem:s29], [sflag:$0x2], $0x2000, $0x38;
	[tilespmem:$0x18900] =	vst v63  }
0xc0: {  	_ =	swait.ge [sflag:s30], $0x2000  }
0xc1: {  	[sflag:s30] =	ssyncset.done $0x0  }
0xc2: {  	[sflag:s30] =	ssyncadd.s32 $0xFFFFE000  }
0xc3: {  	[tilespmem:s29], [sflag:$0x2] =	stream.linear.gather [spmem:s26], $0x2000, $0x38;
	[tilespmem:$0x18900] =	vst v63  }
0xc4: {  	_ =	swait.ge [sflag:s30], $0x2000  }
0xc5: {  	[sflag:s30] =	ssyncset.done $0x0  }
0xc6: {  	[sflag:s30] =	ssyncadd.s32 $0xFFFFE000  }
0xc7: {  	[hbm4b:s22+s4] =	stream.linear.scatter [tilespmem:s29], [sflag:$0x2], $0x2000, $0x38;
	[tilespmem:$0x18900] =	vst v63  }
0xc8: {  	_ =	swait.ge [sflag:s30], $0x2000  }
0xc9: {  	[sflag:s30] =	ssyncset.done $0x0  }
0xca: {  	[sflag:s30] =	ssyncadd.s32 $0xFFFFE000  }
0xcb: {  	[tilespmem:s29], [sflag:$0x2] =	stream.linear.gather [spmem:s28], $0x2000, $0x38;
	[tilespmem:$0x18900] =	vst v63  }
0xcc: {  	_ =	swait.ge [sflag:s30], $0x2000  }
0xcd: {  	[sflag:s30] =	ssyncset.done $0x0  }
0xce: {  	[sflag:s30] =	ssyncadd.s32 $0xFFFFE000  }
0xcf: {  	[hbm4b:s23+s4] =	stream.linear.scatter [tilespmem:s29], [sflag:$0x2], $0x2000, $0x38;
	[tilespmem:$0x18900] =	vst v63  }
0xd0: {  	_ =	swait.ge [sflag:s30], $0x2000  }
0xd1: {  	s15 =	sadd.s32 $0x1, s15;
	s20 =	rddreg [dreg:$0x4]  }
0xd2: {  	p0 =	sne.s32 s15, s20  }
.Ltmp2:
0xd3: {  	_ = 	snop;
	(pc) =	sbr.rel @p0 .LBB2_1-.Ltmp2, $3  }
0xd4: {  	_ =	sdelay $0x1  }
0xd5: {  	[sflag:s30] =	ssyncset.done $0x0  }
0xd6: {  	[sflag:s30] =	ssyncadd.s32 $0xFFFFE000  }
0xd7: {  	_ =	sfence.sel $0x180000  }
0xd8: {  	[bflag:$0x0] =	sbarrier.arrive $0xFFFF  }
0xd9: {  	_ =	strace $0x90000047  }
0xda: {  	s0 =	stileid.u32;
	[bflag:$0x2] =	sbarrier.arrive $0xFFFF  }
0xdb: {  	p0 =	sne.s32 s0, $0x0;
	s0 =	rddreg [dreg:$0x3]  }
0xdc: {  	s0 =	sadd.s32 @!p0 $0x100000, s0  }
0xdd: {  	[sflag:s0] =	ssyncadd.tile.s32 @!p0 $0x1;
	_ =	shalt  }
.Lfunc_end2:
_tile_overlayer_lowered:
.L_overlay_start_2:
0xde: {  	(tag) =	ssettag $0x2  }
0xdf: {  	s0 =	rddreg [dreg:$0x0];
	s2 =	stileid.u32  }
0xe0: {  	s1 =	rddreg [dreg:$0x1];
	p0 =	sne.s32 s2, $0x0  }
0xe1: {  	s3 =	rddreg [dreg:$0x2];
	[bflag:$0x3] =	sbarrier.arrive $0xFFFF;
	s2 =	simm.s32 @!p0 $0x1C02  }
0xe2: {  	[timem:s3], [sflag:s2] =	dma.local @!p0 [hbm:s0], s1  }
0xe3: {  	s0 =	simm.s32 @!p0 $0x2  }
0xe4: {  	_ =	swait.ge @!p0 [sflag:s0], s1  }
0xe5: {  	s1 =	ssub.s32 @!p0 $0x0, s1;
	[sflag:s0] =	ssyncset.done @!p0 $0x0  }
0xe6: {  	[sflag:s0] =	ssyncadd.s32 @!p0 s1  }
0xe7: {  	[bflag:$0x3] =	sbarrier.arrive $0xFFFF  }
0xe8: {  	_ =	shalt  }

// kernel: kernel.13.cloned.1.call-start
scs
__scs_entry_jumppad:
0x0: {  	(pc) =	sbr.rel $0x88, $3  }
0x1: {  	(tag) =	ssettag $0x0;
	lr =	simm.s32 $0x1  }
0x2: {  	[smem:$0x3F94] =	sst lr;
	_ =	strace $0xD0000000  }
0x3: {  	_ = 	snop  }
0x4: {  	_ = 	snop  }
0x5: {  	_ = 	snop  }
0x6: {  	_ = 	snop  }
0x7: {  	_ = 	snop  }
__scs_overlays_trampoline_lowered:
0x8: {  	[smem:$0x3FA3] =	sst s0  }
0x9: {  	[smem:$0x3FA4] =	sst s1  }
0xa: {  	[smem:$0x3FA5] =	sst s2  }
0xb: {  	[smem:$0x3FA6] =	sst s3  }
0xc: {  	[smem:$0x3FA7] =	sst s4  }
0xd: {  	[smem:$0x3FA8] =	sst s5  }
0xe: {  	[smem:$0x3FA9] =	sst s6  }
0xf: {  	[smem:$0x3FAA] =	sst s7  }
0x10: {  	[smem:$0x3FAB] =	sst s8  }
0x11: {  	[smem:$0x3FAC] =	sst s9;
	s0 =	simm.s32 @!p0 $0x0  }
0x12: {  	s1 =	sld [smem:$0x3F92];
	s0 =	simm.s32 @p0 $0x1  }
0x13: {  	[smem:$0x3FAD] =	sst s0;
	s0 =	simm.s32 @!p1 $0x0  }
0x14: {  	s2 =	sld [smem:$0x3F91];
	s0 =	simm.s32 @p1 $0x1  }
0x15: {  	[smem:$0x3FAE] =	sst s0;
	s0 =	simm.s32 @!p2 $0x0  }
0x16: {  	s3 =	sld [smem:$0x3FDB];
	s0 =	simm.s32 @p2 $0x1  }
0x17: {  	s4 =	simm.s32 $0x1BF5;
	[smem:$0x3FB0] =	sst s0  }
0x18: {  	s0 =	sld [smem:$0x3F93];
	_ =	swait.ge [sflag:s4], $0x0  }
0x19: {  	s7 =	sld [smem:$0x3F94]  }
0x1a: {  	s8 =	sadd.s32 $0xFFFFE003, lr  }
0x1b: {  	s9 =	sadd.s32 $0xFFFFFEF7, lr;
	s5 =	simm.s32 $0xFFFFFFFF;
	p2 =	slt.u32 s8, $0xFFFFF086  }
0x1c: {  	p1 =	slt.u32 s9, $0xF7A;
	s5 =	simm.s32 @!p2 $0x0  }
0x1d: {  	s5 =	simm.s32 @p1 $0x1;
	p0 =	seq.s32 s7, s2  }
0x1e: {  	s7 =	smul.u32 @!p0 $0xF7A, s2;
	p2 =	seq.s32 @!p0 s5, $0x0  }
0x1f: {  	s9 =	smul.u32 $0xF7A, s1;
	s8 =	simm.s32 @!p0 $0x1BF5;
	p2 =	por !p2, p0  }
0x20: {  	[sflag:s8] =	ssyncset.s32 @!p0 $0xFFFFF086;
	s6 =	sadd.s32 @!p0 s3, s7;
	s7 =	simm.s32 @!p0 $0x108  }
0x21: {  	s3 =	sadd.s32 s3, s9;
	s6 =	sadd.s32 @!p0 $0x88, s6;
	s7 =	simm.s32 @p2 $0x1082  }
0x22: {  	[simem:s7], [sflag:s8] =	dma.local @!p0 [hbm:s6], $0xF7A  }
0x23: {  	s9 =	sor.u32 $0xD0000000, s2;
	s6 =	simm.s32 $0x108;
	_ =	swait.ge @!p0 [sflag:s8], $0x0  }
0x24: {  	s3 =	sadd.s32 $0x88, s3;
	s6 =	simm.s32 @!p1 $0x1082;
	[sflag:s4] =	ssyncset.s32 $0xFFFFF086  }
0x25: {  	[simem:s6], [sflag:s4] =	dma.local [hbm:s3], $0xF7A  }
0x26: {  	[smem:$0x3F94] =	sst s1;
	(tag) =	ssettag s2;
	_ =	strace s9  }
0x27: {  	s1 =	sld [smem:$0x3FA4]  }
0x28: {  	s2 =	sld [smem:$0x3FA5]  }
0x29: {  	s4 =	sld [smem:$0x3FA7]  }
0x2a: {  	p0 =	seq.s32 s5, $0x0;
	s5 =	sld [smem:$0x3FA8]  }
0x2b: {  	s6 =	sld [smem:$0x3FA9]  }
0x2c: {  	s7 =	sld [smem:$0x3FAA]  }
0x2d: {  	s3 =	simm.s32 $0x108;
	s8 =	sld [smem:$0x3FAB]  }
0x2e: {  	s3 =	simm.s32 @!p0 $0x1082;
	s9 =	sld [smem:$0x3FAC]  }
0x2f: {  	lr =	sadd.s32 s0, s3;
	s0 =	sld [smem:$0x3FA3]  }
0x30: {  	s3 =	sld [smem:$0x3FA6]  }
0x31: {  	[smem:$0x3FAF] =	sst s10  }
0x32: {  	s10 =	sld [smem:$0x3FAD];
	_ =	sdelay $0x3  }
0x33: {  	p0 =	seq.s32 s10, $0x1;
	s10 =	sld [smem:$0x3FAF];
	_ =	sdelay $0x3  }
0x34: {  	[smem:$0x3FAF] =	sst s10  }
0x35: {  	s10 =	sld [smem:$0x3FAE];
	_ =	sdelay $0x3  }
0x36: {  	p1 =	seq.s32 s10, $0x1;
	s10 =	sld [smem:$0x3FAF];
	_ =	sdelay $0x3  }
0x37: {  	[smem:$0x3FAF] =	sst s10  }
0x38: {  	s10 =	sld [smem:$0x3FB0]  }
0x39: {  	_ = 	snop;
	(pc) =	sbr.ind lr, $3  }
0x3a: {  	_ = 	snop  }
0x3b: {  	_ = 	snop  }
0x3c: {  	p2 =	seq.s32 s10, $0x1;
	s10 =	sld [smem:$0x3FAF]  }
0x3d: {  	_ =	shalt  }
0x3e: {  	_ =	shalt  }
0x3f: {  	_ =	shalt  }
0x40: {  	_ =	shalt  }
0x41: {  	_ =	shalt  }
0x42: {  	_ =	shalt  }
0x43: {  	_ =	shalt  }
0x44: {  	_ =	shalt  }
0x45: {  	_ =	shalt  }
0x46: {  	_ =	shalt  }
0x47: {  	_ =	shalt  }
0x48: {  	_ =	shalt  }
0x49: {  	_ =	shalt  }
0x4a: {  	_ =	shalt  }
0x4b: {  	_ =	shalt  }
0x4c: {  	_ =	shalt  }
0x4d: {  	_ =	shalt  }
0x4e: {  	_ =	shalt  }
0x4f: {  	_ =	shalt  }
0x50: {  	_ =	shalt  }
0x51: {  	_ =	shalt  }
0x52: {  	_ =	shalt  }
0x53: {  	_ =	shalt  }
0x54: {  	_ =	shalt  }
0x55: {  	_ =	shalt  }
0x56: {  	_ =	shalt  }
0x57: {  	_ =	shalt  }
0x58: {  	_ =	shalt  }
0x59: {  	_ =	shalt  }
0x5a: {  	_ =	shalt  }
0x5b: {  	_ =	shalt  }
0x5c: {  	_ =	shalt  }
0x5d: {  	_ =	shalt  }
0x5e: {  	_ =	shalt  }
0x5f: {  	_ =	shalt  }
0x60: {  	_ =	shalt  }
0x61: {  	_ =	shalt  }
0x62: {  	_ =	shalt  }
0x63: {  	_ =	shalt  }
0x64: {  	_ =	shalt  }
0x65: {  	_ =	shalt  }
0x66: {  	_ =	shalt  }
0x67: {  	_ =	shalt  }
0x68: {  	_ =	shalt  }
0x69: {  	_ =	shalt  }
0x6a: {  	_ =	shalt  }
0x6b: {  	_ =	shalt  }
0x6c: {  	_ =	shalt  }
0x6d: {  	_ =	shalt  }
0x6e: {  	_ =	shalt  }
0x6f: {  	_ =	shalt  }
0x70: {  	_ =	shalt  }
0x71: {  	_ =	shalt  }
0x72: {  	_ =	shalt  }
0x73: {  	_ =	shalt  }
0x74: {  	_ =	shalt  }
0x75: {  	_ =	shalt  }
0x76: {  	_ =	shalt  }
0x77: {  	_ =	shalt  }
0x78: {  	_ =	shalt  }
0x79: {  	_ =	shalt  }
0x7a: {  	_ =	shalt  }
0x7b: {  	_ =	shalt  }
0x7c: {  	_ =	shalt  }
0x7d: {  	_ =	shalt  }
0x7e: {  	_ =	shalt  }
0x7f: {  	_ =	shalt  }
0x80: {  	_ =	shalt  }
0x81: {  	_ =	shalt  }
0x82: {  	_ =	shalt  }
0x83: {  	_ =	shalt  }
0x84: {  	_ =	shalt  }
0x85: {  	_ =	shalt  }
0x86: {  	_ =	shalt  }
0x87: {  	_ =	shalt  }
.Lfunc_end0:
.L_simem_size_0:
called_computation.2_lowered:
.L_overlay_start_0:
0x88: {  	s2 =	sld [smem:$0x3FD9]  }
0x89: {  	s3 =	sld [smem:$0x3FFE];
	_ =	sdelay $0x1  }
0x8a: {  	s1 =	srdreg.scid  }
0x8b: {  	s0 =	sand.u32 $0x1, s1  }
0x8c: {  	s17 =	sshll.u32 s0, $0xA;
	s2 =	sadd.s32 s3, s2  }
0x8d: {  	s2 =	sadd.s32 s2, s17  }
0x8e: {  	[smem:$0x3FBB] =	sst s2  }
0x8f: {  	_ = 	snop  }
0x90: {  	s2 =	sld [smem:$0x3FD0];
	(tm) =	ssettm $0x1  }
0x91: {  	s18 =	sld [smem:$0x3FFB];
	_ =	sdelay $0x3  }
0x92: {  	_ =	strace s18  }
0x93: {  	s3 =	sld [smem:$0x3FFC];
	_ =	sdelay $0x3  }
0x94: {  	_ =	strace s3  }
0x95: {  	s3 =	sld [smem:$0x3FFD];
	_ =	sdelay $0x3  }
0x96: {  	_ =	strace s3  }
0x97: {  	_ =	strace $0x8FFFFFFF  }
0x98: {  	s19 =	sld [smem:$0x3FDB];
	_ =	sdelay $0x1  }
0x99: {  	s4 =	simm.s32 $_scs_section_size  }
0x9a: {  	s5 =	simm.s32 $_size__tile_overlayer_lowered;
	s6 =	simm.s32 $_tile_overlayer_lowered  }
0x9b: {  	s22 =	simm.s32 $0x1BFF;
	s21 =	sshll.u32 s6, $0x1;
	s3 =	sadd.s32 s4, s19  }
0x9c: {  	s7 =	simm.s32 $0x0;
	s20 =	sshll.u32 s5, $0x1;
	s5 =	sadd.s32 s21, s3  }
0x9d: {  	[timem:s7], [sflag:s22] =	dma.local [hbm:s5], s20  }
0x9e: {  	_ =	swait.ge [sflag:s22], s20  }
0x9f: {  	s4 =	ssub.s32 $0x0, s20;
	[sflag:s22] =	ssyncset.done $0x0  }
0xa0: {  	[sflag:s22] =	ssyncadd.s32 s4;
	_ =	sdelay $0x1  }
0xa1: {  	s23 =	simm.s32 $0x1B8B  }
0xa2: {  	_ =	swait.ge [sflag:s23], $0x1  }
0xa3: {  	[sflag:s23] =	ssyncset.done $0x0  }
0xa4: {  	s25 =	simm.s32 $0x1B8E;
	s24 =	sld [smem:$0x3FFE];
	[sflag:s23] =	ssyncadd.s32 $0xFFFFFFFF  }
0xa5: {  	s26 =	simm.s32 $execute0_lowered;
	[smem:$0x3FD2] =	sst s25  }
0xa6: {  	s5 =	sshll.u32 s26, $0x1;
	_ =	strace $0x8000004C;
	[dreg:$0x1] =	wrdreg $0xFFFFFFFF  }
0xa7: {  	s28 =	simm.s32 $_size_execute0_lowered;
	s3 =	sadd.s32 s3, s5;
	[dreg:$0x0] =	wrdreg $0x0  }
0xa8: {  	s5 =	sshll.u32 s28, $0x1;
	[dreg:$0x2] =	wrdreg s3  }
0xa9: {  	[dreg:$0x3] =	wrdreg s5  }
0xaa: {  	[dreg:$0x4] =	wrdreg $0xC0  }
0xab: {  	_ =	task [dreg:s7], $0x5FFFF  }
0xac: {  	[dreg:$0x1] =	wrdreg $0xFFFFFFFF  }
0xad: {  	[dreg:$0x0] =	wrdreg $0x60  }
0xae: {  	[dreg:$0x2] =	wrdreg s2  }
0xaf: {  	[dreg:$0x3] =	wrdreg s24  }
0xb0: {  	[dreg:$0x4] =	wrdreg $0x0  }
0xb1: {  	[dreg:$0x5] =	wrdreg $0x9  }
0xb2: {  	_ =	task.clear_ibuf [dreg:s7], $0x6FFFF;
	_ =	strace $0x9000004C  }
0xb3: {  	s29 =	simm.s32 $0x9;
	_ =	strace $0x8000004E  }
0xb4: {  	_ =	swait.ge [sflag:s29], $0x1  }
0xb5: {  	[sflag:s29] =	ssyncadd.s32 $0xFFFFFFFF  }
0xb6: {  	_ =	strace $0x9000004E  }
0xb7: {  	_ =	sfence  }
0xb8: {  	s30 =	sld [smem:$0x0];
	_ =	sdelay $0x2  }
0xb9: {  	s31 =	sshll.u32 s1, $0xD;
	s1 =	sshrl.u32 s1, $0x2  }
0xba: {  	s3 =	sand.u32 $0x4000, s31;
	s1 =	sadd.s32 s1, s30  }
0xbb: {  	s0 =	sor.u32 s3, s0;
	s1 =	sshll.u32 s1, $0x11  }
0xbc: {  	s0 =	sor.u32 s1, s0  }
0xbd: {  	s0 =	sadd.s32 $0x8F2B, s0  }
0xbe: {  	[sflag:s0] =	ssyncadd.remote.s32 $0x1  }
0xbf: {  	_ =	sfence.sel $0xFFFF  }
0xc0: {  	[dreg:$0x0] =	wrdreg $0xFFFFFFFF;
	(pc) =	sbr.abs _section_cstart, $3  }
0xc1: {  	[dreg:$0x1] =	wrdreg $0xFFFFFFFF  }
0xc2: {  	_ =	task.clear_ibuf [dreg:s7], $0x2FFFF;
	_ =	strace $0x9FFFFFFF  }
0xc3: {  	(tm) =	ssettm $0x7FFFFFFF  }
tec
execute0_lowered:
.L_overlay_start_1:
0x0: {  	(tag) =	ssettag $0x1  }
0x1: {  	s1 =	rddreg [dreg:$0x0];
	s0 =	srdreg.scid  }
0x2: {  	s2 =	rddreg [dreg:$0x1];
	s8 =	stileid.u32  }
0x3: {  	s3 =	rddreg [dreg:$0x2];
	s6 =	smul.u32 $0x2710, s8  }
0x4: {  	s4 =	simm.s32 $0x0;
	s29 =	simm.s32 $0x16900;
	s7 =	smul.u32 $0x280, s8  }
0x5: {  	s30 =	simm.s32 $0x2;
	s0 =	sand.u32 $0x1, s0;
	s8 =	smul.u32 $0x50000, s8  }
0x6: {  	s31 =	simm.s32 $0x14080;
	s15 =	simm.s32 $0x0;
	s5 =	smul.u32 $0x27100, s0  }
0x7: {  	[smem:$0x7FF] =	sst s4;
	s16 =	smul.u32 $0x2800, s0;
	s0 =	ssub.s32 $0x2, s0  }
0x8: {  	_ =	strace $0x8000004D;
	s18 =	sshrl.u32 s0, $0x1;
	s19 =	sshrl.u32 s8, $0x2  }
0x9: {  	s5 =	sadd.s32 s6, s5;
	s17 =	sadd.s32 s7, s16;
	s0 =	ssub.s32 s0, s18  }
0xa: {  	s6 =	simm.s32 $0x14100;
	s5 =	sshrl.u32 s5, $0x3;
	s0 =	smax.u32 s0, $0x1  }
0xb: {  	s14 =	sadd.s32 s5, s2;
	s5 =	sshll.u32 s17, $0x4;
	[dreg:$0x4] =	wrdreg s0  }
0xc: {  	s0 =	simm.s32 $0x50;
	s2 =	sadd.s32 s5, s2;
	s5 =	sadd.s32 s19, s3  }
0xd: {  	s7 =	sadd.s32 $0x2000, s5;
	s8 =	sadd.s32 $0x4000, s5;
	s20 =	sadd.s32 $0x17200, s2  }
0xe: {  	s9 =	sadd.s32 $0x6000, s5;
	s21 =	sadd.s32 $0x17600, s2;
	[dreg:$0x5] =	wrdreg s20  }
0xf: {  	s10 =	sadd.s32 $0x8000, s5;
	s22 =	sadd.s32 $0x17A00, s2;
	[dreg:$0x6] =	wrdreg s21  }
0x10: {  	s11 =	sadd.s32 $0xA000, s5;
	s23 =	sadd.s32 $0x17E00, s2;
	[dreg:$0x7] =	wrdreg s22  }
0x11: {  	s12 =	sadd.s32 $0xC000, s5;
	s24 =	sadd.s32 $0x18200, s2;
	[dreg:$0x8] =	wrdreg s23  }
0x12: {  	s13 =	sadd.s32 $0xE000, s5;
	s25 =	sadd.s32 $0x18600, s2;
	[dreg:$0x9] =	wrdreg s24  }
0x13: {  	s26 =	sadd.s32 $0x18A00, s2;
	s28 =	sadd.s32 $0x12000, s5;
	[dreg:$0xa] =	wrdreg s25  }
0x14: {  	[dreg:$0xb] =	wrdreg s26;
	s21 =	sadd.s32 $0x18E00, s2;
	s22 =	sadd.s32 $0x19200, s2  }
0x15: {  	s23 =	sadd.s32 $0x19600, s2;
	s24 =	sadd.s32 $0xD400, s14;
	s25 =	sadd.s32 $0x3600, s14  }
0x16: {  	v0 =	vimm.f32 $0.0e+00;
	s26 =	sadd.s32 $0x10000, s5;
	s2 =	simm.s32 $0x14000;
	s14 =	simm.s32 $0x1  }
.LBB2_1:
0x17: {  	s16 =	simm.s32 $0x0;
	s17 =	simm.s32 $0x200  }
.LBB2_2:
0x18: {  	p0 =	sne.s32 s17, $0x7E00;
	[tilespmem:s16+$0x16970] =	vst v0  }
0x19: {  	[tilespmem:s16+$0x16900] =	vst v0  }
0x1a: {  	[tilespmem:s16+$0x16910] =	vst v0  }
.Ltmp0:
0x1b: {  	[tilespmem:s16+$0x16920] =	vst v0;
	(pc) =	sbr.rel @p0 .LBB2_2-.Ltmp0, $4  }
0x1c: {  	[tilespmem:s16+$0x16930] =	vst v0  }
0x1d: {  	[tilespmem:s16+$0x16940] =	vst v0  }
0x1e: {  	[tilespmem:s16+$0x16950] =	vst v0  }
0x1f: {  	[tilespmem:s16+$0x16960] =	vst v0;
	s16 =	sshra.s32 s17, $0x2;
	s17 =	sadd.s32 $0x200, s17  }
0x20: {  	[tilespmem:s16+$0x16970] =	vst v0  }
0x21: {  	[tilespmem:s16+$0x16900] =	vst v0  }
0x22: {  	[tilespmem:s16+$0x16910] =	vst v0  }
0x23: {  	[tilespmem:s16+$0x16920] =	vst v0  }
0x24: {  	[tilespmem:s16+$0x16930] =	vst v0  }
0x25: {  	[tilespmem:s16+$0x16940] =	vst v0  }
0x26: {  	[tilespmem:s16+$0x16950] =	vst v0  }
0x27: {  	[tilespmem:s16+$0x16960] =	vst v0  }
0x28: {  	[spmem:s5] =	stream.linear.scatter [tilespmem:s29], [sflag:$0x2], $0x2000, $0x38;
	[tilespmem:$0x18900] =	vst v63  }
0x29: {  	_ =	swait.ge [sflag:s30], $0x2000  }
0x2a: {  	[sflag:s30] =	ssyncset.done $0x0  }
0x2b: {  	[sflag:s30] =	ssyncadd.s32 $0xFFFFE000  }
0x2c: {  	[spmem:s7] =	stream.linear.scatter [tilespmem:s29], [sflag:$0x2], $0x2000, $0x38;
	[tilespmem:$0x18900] =	vst v63  }
0x2d: {  	_ =	swait.ge [sflag:s30], $0x2000  }
0x2e: {  	[sflag:s30] =	ssyncset.done $0x0  }
0x2f: {  	[sflag:s30] =	ssyncadd.s32 $0xFFFFE000  }
0x30: {  	[spmem:s8] =	stream.linear.scatter [tilespmem:s29], [sflag:$0x2], $0x2000, $0x38;
	[tilespmem:$0x18900] =	vst v63  }
0x31: {  	_ =	swait.ge [sflag:s30], $0x2000  }
0x32: {  	[sflag:s30] =	ssyncset.done $0x0  }
0x33: {  	[sflag:s30] =	ssyncadd.s32 $0xFFFFE000  }
0x34: {  	[spmem:s9] =	stream.linear.scatter [tilespmem:s29], [sflag:$0x2], $0x2000, $0x38;
	[tilespmem:$0x18900] =	vst v63  }
0x35: {  	_ =	swait.ge [sflag:s30], $0x2000  }
0x36: {  	[sflag:s30] =	ssyncset.done $0x0  }
0x37: {  	[sflag:s30] =	ssyncadd.s32 $0xFFFFE000  }
0x38: {  	[spmem:s10] =	stream.linear.scatter [tilespmem:s29], [sflag:$0x2], $0x2000, $0x38;
	[tilespmem:$0x18900] =	vst v63  }
0x39: {  	_ =	swait.ge [sflag:s30], $0x2000  }
0x3a: {  	[sflag:s30] =	ssyncset.done $0x0  }
0x3b: {  	[sflag:s30] =	ssyncadd.s32 $0xFFFFE000  }
0x3c: {  	[spmem:s11] =	stream.linear.scatter [tilespmem:s29], [sflag:$0x2], $0x2000, $0x38;
	[tilespmem:$0x18900] =	vst v63  }
0x3d: {  	_ =	swait.ge [sflag:s30], $0x2000  }
0x3e: {  	[sflag:s30] =	ssyncset.done $0x0  }
0x3f: {  	[sflag:s30] =	ssyncadd.s32 $0xFFFFE000  }
0x40: {  	[spmem:s12] =	stream.linear.scatter [tilespmem:s29], [sflag:$0x2], $0x2000, $0x38;
	[tilespmem:$0x18900] =	vst v63  }
0x41: {  	_ =	swait.ge [sflag:s30], $0x2000  }
0x42: {  	[sflag:s30] =	ssyncset.done $0x0  }
0x43: {  	[sflag:s30] =	ssyncadd.s32 $0xFFFFE000  }
0x44: {  	[spmem:s13] =	stream.linear.scatter [tilespmem:s29], [sflag:$0x2], $0x2000, $0x38;
	[tilespmem:$0x18900] =	vst v63  }
0x45: {  	_ =	swait.ge [sflag:s30], $0x2000  }
0x46: {  	[sflag:s30] =	ssyncset.done $0x0  }
0x47: {  	[sflag:s30] =	ssyncadd.s32 $0xFFFFE000  }
0x48: {  	[spmem:s26] =	stream.linear.scatter [tilespmem:s29], [sflag:$0x2], $0x2000, $0x38;
	[tilespmem:$0x18900] =	vst v63  }
0x49: {  	_ =	swait.ge [sflag:s30], $0x2000  }
0x4a: {  	[sflag:s30] =	ssyncset.done $0x0  }
0x4b: {  	[sflag:s30] =	ssyncadd.s32 $0xFFFFE000  }
0x4c: {  	[spmem:s28] =	stream.linear.scatter [tilespmem:s29], [sflag:$0x2], $0x2000, $0x38;
	[tilespmem:$0x18900] =	vst v63  }
0x4d: {  	_ =	swait.ge [sflag:s30], $0x2000  }
0x4e: {  	[sflag:s30] =	ssyncset.done $0x0  }
0x4f: {  	[sflag:s30] =	ssyncadd.s32 $0xFFFFE000  }
0x50: {  	s19 =	sadd.s32 $0x0, s25;
	[bflag:$0x0] =	sbarrier.arrive $0xFFFF  }
0x51: {  	[tilespmem:s31], [sflag:$0x2] =	stream.linear.gather [hbm4b:s19+s4], $0x50, $0x38;
	[tilespmem:$0x18900] =	vst v63  }
0x52: {  	_ =	swait.ge [sflag:s30], $0x50  }
0x53: {  	[sflag:s30] =	ssyncset.done $0x0  }
0x54: {  	s20 =	sadd.s32 $0x0, s24;
	[sflag:s30] =	ssyncadd.s32 $0xFFFFFFB0  }
0x55: {  	[tilespmem:s2], [sflag:$0x2] =	stream.linear.gather [hbm4b:s20+s4], $0x50, $0x38;
	[tilespmem:$0x18900] =	vst v63  }
0x56: {  	_ =	swait.ge [sflag:s30], $0x50  }
0x57: {  	[sflag:s30] =	ssyncset.done $0x0  }
0x58: {  	[sflag:s30] =	ssyncadd.s32 $0xFFFFFFB0  }
0x59: {  	[tilespmem:s6], [sflag:$0x1] =	stream.indirect.gather [hbm4b:s1+s0], $0x80, s2, s0, $0xb8;
	[tilespmem:$0x18900] =	vst v63  }
0x5a: {  	_ =	swait.ge [sflag:s14], $0x2800  }
0x5b: {  	[sflag:s14] =	ssyncset.done $0x0  }
0x5c: {  	[sflag:s14] =	ssyncadd.s32 $0xFFFFD800  }
0x5d: {  	[spmem:s3] =	stream.indirect.scatter.add.f32 [tilespmem:s6], [sflag:$0x2], $0x80, s31, s0, $0xb8;
	[tilespmem:$0x18900] =	vst v63  }
0x5e: {  	_ =	swait.ge [sflag:s30], $0x2800  }
0x5f: {  	s16 =	simm.s32 $0xA;
	s17 =	simm.s32 $0x14;
	[sflag:s30] =	ssyncset.done $0x0  }
.LBB2_4:
0x60: {  	s18 =	sadd.s32 s16, s25  }
0x61: {  	[sflag:s30] =	ssyncadd.s32 $0xFFFFD800;
	s19 =	smov.u32 s17;
	s20 =	sadd.s32 $0xA, s17  }
0x62: {  	[tilespmem:s31], [sflag:$0x2] =	stream.linear.gather [hbm4b:s18+s4], $0x50, $0x38;
	[tilespmem:$0x18900] =	vst v63  }
0x63: {  	p0 =	sne.s32 s17, $0x4D8;
	_ =	swait.ge [sflag:s30], $0x50  }
0x64: {  	[sflag:s30] =	ssyncset.done $0x0  }
0x65: {  	s17 =	sadd.s32 s16, s24;
	s16 =	smov.u32 s19;
	[sflag:s30] =	ssyncadd.s32 $0xFFFFFFB0  }
0x66: {  	[tilespmem:s2], [sflag:$0x2] =	stream.linear.gather [hbm4b:s17+s4], $0x50, $0x38;
	[tilespmem:$0x18900] =	vst v63  }
0x67: {  	_ =	swait.ge [sflag:s30], $0x50  }
0x68: {  	[sflag:s30] =	ssyncset.done $0x0  }
0x69: {  	[sflag:s30] =	ssyncadd.s32 $0xFFFFFFB0  }
0x6a: {  	[tilespmem:s6], [sflag:$0x1] =	stream.indirect.gather [hbm4b:s1+s0], $0x80, s2, s0, $0xb8;
	[tilespmem:$0x18900] =	vst v63  }
0x6b: {  	_ =	swait.ge [sflag:s14], $0x2800  }
.Ltmp1:
0x6c: {  	[sflag:s14] =	ssyncset.done $0x0;
	(pc) =	sbr.rel @p0 .LBB2_4-.Ltmp1, $4  }
0x6d: {  	[sflag:s14] =	ssyncadd.s32 $0xFFFFD800  }
0x6e: {  	[spmem:s3] =	stream.indirect.scatter.add.f32 [tilespmem:s6], [sflag:$0x2], $0x80, s31, s0, $0xb8;
	[tilespmem:$0x18900] =	vst v63  }
0x6f: {  	_ =	swait.ge [sflag:s30], $0x2800  }
0x70: {  	s17 =	smov.u32 s20;
	[sflag:s30] =	ssyncset.done $0x0  }
0x71: {  	s17 =	sadd.s32 s16, s25;
	[sflag:s30] =	ssyncadd.s32 $0xFFFFD800  }
0x72: {  	[tilespmem:s31], [sflag:$0x2] =	stream.linear.gather [hbm4b:s17+s4], $0x50, $0x38;
	[tilespmem:$0x18900] =	vst v63  }
0x73: {  	_ =	swait.ge [sflag:s30], $0x50  }
0x74: {  	[sflag:s30] =	ssyncset.done $0x0  }
0x75: {  	s20 =	sadd.s32 s16, s24;
	[sflag:s30] =	ssyncadd.s32 $0xFFFFFFB0  }
0x76: {  	[tilespmem:s2], [sflag:$0x2] =	stream.linear.gather [hbm4b:s20+s4], $0x50, $0x38;
	[tilespmem:$0x18900] =	vst v63  }
0x77: {  	_ =	swait.ge [sflag:s30], $0x50  }
0x78: {  	[sflag:s30] =	ssyncset.done $0x0  }
0x79: {  	[sflag:s30] =	ssyncadd.s32 $0xFFFFFFB0  }
0x7a: {  	[tilespmem:s6], [sflag:$0x1] =	stream.indirect.gather [hbm4b:s1+s0], $0x80, s2, s0, $0xb8;
	[tilespmem:$0x18900] =	vst v63  }
0x7b: {  	_ =	swait.ge [sflag:s14], $0x2800  }
0x7c: {  	[sflag:s14] =	ssyncset.done $0x0  }
0x7d: {  	[sflag:s14] =	ssyncadd.s32 $0xFFFFD800  }
0x7e: {  	[spmem:s3] =	stream.indirect.scatter.add.f32 [tilespmem:s6], [sflag:$0x2], $0x80, s31, s0, $0xb8;
	[tilespmem:$0x18900] =	vst v63  }
0x7f: {  	_ =	swait.ge [sflag:s30], $0x2800  }
0x80: {  	[sflag:s30] =	ssyncset.done $0x0  }
0x81: {  	[sflag:s30] =	ssyncadd.s32 $0xFFFFD800  }
0x82: {  	[bflag:$0x0] =	sbarrier.arrive $0xFFFF  }
0x83: {  	[tilespmem:s29], [sflag:$0x2] =	stream.linear.gather [spmem:s5], $0x2000, $0x38;
	[tilespmem:$0x18900] =	vst v63  }
0x84: {  	_ =	swait.ge [sflag:s30], $0x2000  }
0x85: {  	[sflag:s30] =	ssyncset.done $0x0  }
0x86: {  	s17 =	rddreg [dreg:$0x5];
	[sflag:s30] =	ssyncadd.s32 $0xFFFFE000  }
0x87: {  	[hbm4b:s17+s4] =	stream.linear.scatter [tilespmem:s29], [sflag:$0x2], $0x2000, $0x38;
	[tilespmem:$0x18900] =	vst v63  }
0x88: {  	_ =	swait.ge [sflag:s30], $0x2000  }
0x89: {  	[sflag:s30] =	ssyncset.done $0x0  }
0x8a: {  	[sflag:s30] =	ssyncadd.s32 $0xFFFFE000  }
0x8b: {  	[tilespmem:s29], [sflag:$0x2] =	stream.linear.gather [spmem:s7], $0x2000, $0x38;
	[tilespmem:$0x18900] =	vst v63  }
0x8c: {  	_ =	swait.ge [sflag:s30], $0x2000  }
0x8d: {  	[sflag:s30] =	ssyncset.done $0x0  }
0x8e: {  	s18 =	rddreg [dreg:$0x6];
	[sflag:s30] =	ssyncadd.s32 $0xFFFFE000  }
0x8f: {  	[hbm4b:s18+s4] =	stream.linear.scatter [tilespmem:s29], [sflag:$0x2], $0x2000, $0x38;
	[tilespmem:$0x18900] =	vst v63  }
0x90: {  	_ =	swait.ge [sflag:s30], $0x2000  }
0x91: {  	[sflag:s30] =	ssyncset.done $0x0  }
0x92: {  	[sflag:s30] =	ssyncadd.s32 $0xFFFFE000  }
0x93: {  	[tilespmem:s29], [sflag:$0x2] =	stream.linear.gather [spmem:s8], $0x2000, $0x38;
	[tilespmem:$0x18900] =	vst v63  }
0x94: {  	_ =	swait.ge [sflag:s30], $0x2000  }
0x95: {  	[sflag:s30] =	ssyncset.done $0x0  }
0x96: {  	s19 =	rddreg [dreg:$0x7];
	[sflag:s30] =	ssyncadd.s32 $0xFFFFE000  }
0x97: {  	[hbm4b:s19+s4] =	stream.linear.scatter [tilespmem:s29], [sflag:$0x2], $0x2000, $0x38;
	[tilespmem:$0x18900] =	vst v63  }
0x98: {  	_ =	swait.ge [sflag:s30], $0x2000  }
0x99: {  	[sflag:s30] =	ssyncset.done $0x0  }
0x9a: {  	[sflag:s30] =	ssyncadd.s32 $0xFFFFE000  }
0x9b: {  	[tilespmem:s29], [sflag:$0x2] =	stream.linear.gather [spmem:s9], $0x2000, $0x38;
	[tilespmem:$0x18900] =	vst v63  }
0x9c: {  	_ =	swait.ge [sflag:s30], $0x2000  }
0x9d: {  	[sflag:s30] =	ssyncset.done $0x0  }
0x9e: {  	s20 =	rddreg [dreg:$0x8];
	[sflag:s30] =	ssyncadd.s32 $0xFFFFE000  }
0x9f: {  	[hbm4b:s20+s4] =	stream.linear.scatter [tilespmem:s29], [sflag:$0x2], $0x2000, $0x38;
	[tilespmem:$0x18900] =	vst v63  }
0xa0: {  	_ =	swait.ge [sflag:s30], $0x2000  }
0xa1: {  	[sflag:s30] =	ssyncset.done $0x0  }
0xa2: {  	[sflag:s30] =	ssyncadd.s32 $0xFFFFE000  }
0xa3: {  	[tilespmem:s29], [sflag:$0x2] =	stream.linear.gather [spmem:s10], $0x2000, $0x38;
	[tilespmem:$0x18900] =	vst v63  }
0xa4: {  	_ =	swait.ge [sflag:s30], $0x2000  }
0xa5: {  	[sflag:s30] =	ssyncset.done $0x0  }
0xa6: {  	s17 =	rddreg [dreg:$0x9];
	[sflag:s30] =	ssyncadd.s32 $0xFFFFE000  }
0xa7: {  	[hbm4b:s17+s4] =	stream.linear.scatter [tilespmem:s29], [sflag:$0x2], $0x2000, $0x38;
	[tilespmem:$0x18900] =	vst v63  }
0xa8: {  	_ =	swait.ge [sflag:s30], $0x2000  }
0xa9: {  	[sflag:s30] =	ssyncset.done $0x0  }
0xaa: {  	[sflag:s30] =	ssyncadd.s32 $0xFFFFE000  }
0xab: {  	[tilespmem:s29], [sflag:$0x2] =	stream.linear.gather [spmem:s11], $0x2000, $0x38;
	[tilespmem:$0x18900] =	vst v63  }
0xac: {  	_ =	swait.ge [sflag:s30], $0x2000  }
0xad: {  	[sflag:s30] =	ssyncset.done $0x0  }
0xae: {  	s18 =	rddreg [dreg:$0xa];
	[sflag:s30] =	ssyncadd.s32 $0xFFFFE000  }
0xaf: {  	[hbm4b:s18+s4] =	stream.linear.scatter [tilespmem:s29], [sflag:$0x2], $0x2000, $0x38;
	[tilespmem:$0x18900] =	vst v63  }
0xb0: {  	_ =	swait.ge [sflag:s30], $0x2000  }
0xb1: {  	[sflag:s30] =	ssyncset.done $0x0  }
0xb2: {  	[sflag:s30] =	ssyncadd.s32 $0xFFFFE000  }
0xb3: {  	[tilespmem:s29], [sflag:$0x2] =	stream.linear.gather [spmem:s12], $0x2000, $0x38;
	[tilespmem:$0x18900] =	vst v63  }
0xb4: {  	_ =	swait.ge [sflag:s30], $0x2000  }
0xb5: {  	[sflag:s30] =	ssyncset.done $0x0  }
0xb6: {  	s19 =	rddreg [dreg:$0xb];
	[sflag:s30] =	ssyncadd.s32 $0xFFFFE000  }
0xb7: {  	[hbm4b:s19+s4] =	stream.linear.scatter [tilespmem:s29], [sflag:$0x2], $0x2000, $0x38;
	[tilespmem:$0x18900] =	vst v63  }
0xb8: {  	_ =	swait.ge [sflag:s30], $0x2000  }
0xb9: {  	[sflag:s30] =	ssyncset.done $0x0  }
0xba: {  	[sflag:s30] =	ssyncadd.s32 $0xFFFFE000  }
0xbb: {  	[tilespmem:s29], [sflag:$0x2] =	stream.linear.gather [spmem:s13], $0x2000, $0x38;
	[tilespmem:$0x18900] =	vst v63  }
0xbc: {  	_ =	swait.ge [sflag:s30], $0x2000  }
0xbd: {  	[sflag:s30] =	ssyncset.done $0x0  }
0xbe: {  	[sflag:s30] =	ssyncadd.s32 $0xFFFFE000  }
0xbf: {  	[hbm4b:s21+s4] =	stream.linear.scatter [tilespmem:s29], [sflag:$0x2], $0x2000, $0x38;
	[tilespmem:$0x18900] =	vst v63  }
0xc0: {  	_ =	swait.ge [sflag:s30], $0x2000  }
0xc1: {  	[sflag:s30] =	ssyncset.done $0x0  }
0xc2: {  	[sflag:s30] =	ssyncadd.s32 $0xFFFFE000  }
0xc3: {  	[tilespmem:s29], [sflag:$0x2] =	stream.linear.gather [spmem:s26], $0x2000, $0x38;
	[tilespmem:$0x18900] =	vst v63  }
0xc4: {  	_ =	swait.ge [sflag:s30], $0x2000  }
0xc5: {  	[sflag:s30] =	ssyncset.done $0x0  }
0xc6: {  	[sflag:s30] =	ssyncadd.s32 $0xFFFFE000  }
0xc7: {  	[hbm4b:s22+s4] =	stream.linear.scatter [tilespmem:s29], [sflag:$0x2], $0x2000, $0x38;
	[tilespmem:$0x18900] =	vst v63  }
0xc8: {  	_ =	swait.ge [sflag:s30], $0x2000  }
0xc9: {  	[sflag:s30] =	ssyncset.done $0x0  }
0xca: {  	[sflag:s30] =	ssyncadd.s32 $0xFFFFE000  }
0xcb: {  	[tilespmem:s29], [sflag:$0x2] =	stream.linear.gather [spmem:s28], $0x2000, $0x38;
	[tilespmem:$0x18900] =	vst v63  }
0xcc: {  	_ =	swait.ge [sflag:s30], $0x2000  }
0xcd: {  	[sflag:s30] =	ssyncset.done $0x0  }
0xce: {  	[sflag:s30] =	ssyncadd.s32 $0xFFFFE000  }
0xcf: {  	[hbm4b:s23+s4] =	stream.linear.scatter [tilespmem:s29], [sflag:$0x2], $0x2000, $0x38;
	[tilespmem:$0x18900] =	vst v63  }
0xd0: {  	_ =	swait.ge [sflag:s30], $0x2000  }
0xd1: {  	s15 =	sadd.s32 $0x1, s15;
	s20 =	rddreg [dreg:$0x4]  }
0xd2: {  	p0 =	sne.s32 s15, s20  }
.Ltmp2:
0xd3: {  	_ = 	snop;
	(pc) =	sbr.rel @p0 .LBB2_1-.Ltmp2, $3  }
0xd4: {  	_ =	sdelay $0x1  }
0xd5: {  	[sflag:s30] =	ssyncset.done $0x0  }
0xd6: {  	[sflag:s30] =	ssyncadd.s32 $0xFFFFE000  }
0xd7: {  	_ =	sfence.sel $0x180000  }
0xd8: {  	[bflag:$0x0] =	sbarrier.arrive $0xFFFF  }
0xd9: {  	_ =	strace $0x9000004D  }
0xda: {  	s0 =	stileid.u32;
	[bflag:$0x2] =	sbarrier.arrive $0xFFFF  }
0xdb: {  	p0 =	sne.s32 s0, $0x0;
	s0 =	rddreg [dreg:$0x3]  }
0xdc: {  	s0 =	sadd.s32 @!p0 $0x100000, s0  }
0xdd: {  	[sflag:s0] =	ssyncadd.tile.s32 @!p0 $0x1;
	_ =	shalt  }
.Lfunc_end2:
_tile_overlayer_lowered:
.L_overlay_start_2:
0xde: {  	(tag) =	ssettag $0x2  }
0xdf: {  	s0 =	rddreg [dreg:$0x0];
	s2 =	stileid.u32  }
0xe0: {  	s1 =	rddreg [dreg:$0x1];
	p0 =	sne.s32 s2, $0x0  }
0xe1: {  	s3 =	rddreg [dreg:$0x2];
	[bflag:$0x3] =	sbarrier.arrive $0xFFFF;
	s2 =	simm.s32 @!p0 $0x1C02  }
0xe2: {  	[timem:s3], [sflag:s2] =	dma.local @!p0 [hbm:s0], s1  }
0xe3: {  	s0 =	simm.s32 @!p0 $0x2  }
0xe4: {  	_ =	swait.ge @!p0 [sflag:s0], s1  }
0xe5: {  	s1 =	ssub.s32 @!p0 $0x0, s1;
	[sflag:s0] =	ssyncset.done @!p0 $0x0  }
0xe6: {  	[sflag:s0] =	ssyncadd.s32 @!p0 s1  }
0xe7: {  	[bflag:$0x3] =	sbarrier.arrive $0xFFFF  }
0xe8: {  	_ =	shalt  }

// kernel: kernel.7.cloned.1.call-start
scs
__scs_entry_jumppad:
0x0: {  	(pc) =	sbr.rel $0x88, $3  }
0x1: {  	(tag) =	ssettag $0x0;
	lr =	simm.s32 $0x1  }
0x2: {  	[smem:$0x3F94] =	sst lr;
	_ =	strace $0xD0000000  }
0x3: {  	_ = 	snop  }
0x4: {  	_ = 	snop  }
0x5: {  	_ = 	snop  }
0x6: {  	_ = 	snop  }
0x7: {  	_ = 	snop  }
__scs_overlays_trampoline_lowered:
0x8: {  	[smem:$0x3FA3] =	sst s0  }
0x9: {  	[smem:$0x3FA4] =	sst s1  }
0xa: {  	[smem:$0x3FA5] =	sst s2  }
0xb: {  	[smem:$0x3FA6] =	sst s3  }
0xc: {  	[smem:$0x3FA7] =	sst s4  }
0xd: {  	[smem:$0x3FA8] =	sst s5  }
0xe: {  	[smem:$0x3FA9] =	sst s6  }
0xf: {  	[smem:$0x3FAA] =	sst s7  }
0x10: {  	[smem:$0x3FAB] =	sst s8  }
0x11: {  	[smem:$0x3FAC] =	sst s9;
	s0 =	simm.s32 @!p0 $0x0  }
0x12: {  	s1 =	sld [smem:$0x3F92];
	s0 =	simm.s32 @p0 $0x1  }
0x13: {  	[smem:$0x3FAD] =	sst s0;
	s0 =	simm.s32 @!p1 $0x0  }
0x14: {  	s2 =	sld [smem:$0x3F91];
	s0 =	simm.s32 @p1 $0x1  }
0x15: {  	[smem:$0x3FAE] =	sst s0;
	s0 =	simm.s32 @!p2 $0x0  }
0x16: {  	s3 =	sld [smem:$0x3FDB];
	s0 =	simm.s32 @p2 $0x1  }
0x17: {  	s4 =	simm.s32 $0x1BF5;
	[smem:$0x3FB0] =	sst s0  }
0x18: {  	s0 =	sld [smem:$0x3F93];
	_ =	swait.ge [sflag:s4], $0x0  }
0x19: {  	s7 =	sld [smem:$0x3F94]  }
0x1a: {  	s8 =	sadd.s32 $0xFFFFE003, lr  }
0x1b: {  	s9 =	sadd.s32 $0xFFFFFEF7, lr;
	s5 =	simm.s32 $0xFFFFFFFF;
	p2 =	slt.u32 s8, $0xFFFFF086  }
0x1c: {  	p1 =	slt.u32 s9, $0xF7A;
	s5 =	simm.s32 @!p2 $0x0  }
0x1d: {  	s5 =	simm.s32 @p1 $0x1;
	p0 =	seq.s32 s7, s2  }
0x1e: {  	s7 =	smul.u32 @!p0 $0xF7A, s2;
	p2 =	seq.s32 @!p0 s5, $0x0  }
0x1f: {  	s9 =	smul.u32 $0xF7A, s1;
	s8 =	simm.s32 @!p0 $0x1BF5;
	p2 =	por !p2, p0  }
0x20: {  	[sflag:s8] =	ssyncset.s32 @!p0 $0xFFFFF086;
	s6 =	sadd.s32 @!p0 s3, s7;
	s7 =	simm.s32 @!p0 $0x108  }
0x21: {  	s3 =	sadd.s32 s3, s9;
	s6 =	sadd.s32 @!p0 $0x88, s6;
	s7 =	simm.s32 @p2 $0x1082  }
0x22: {  	[simem:s7], [sflag:s8] =	dma.local @!p0 [hbm:s6], $0xF7A  }
0x23: {  	s9 =	sor.u32 $0xD0000000, s2;
	s6 =	simm.s32 $0x108;
	_ =	swait.ge @!p0 [sflag:s8], $0x0  }
0x24: {  	s3 =	sadd.s32 $0x88, s3;
	s6 =	simm.s32 @!p1 $0x1082;
	[sflag:s4] =	ssyncset.s32 $0xFFFFF086  }
0x25: {  	[simem:s6], [sflag:s4] =	dma.local [hbm:s3], $0xF7A  }
0x26: {  	[smem:$0x3F94] =	sst s1;
	(tag) =	ssettag s2;
	_ =	strace s9  }
0x27: {  	s1 =	sld [smem:$0x3FA4]  }
0x28: {  	s2 =	sld [smem:$0x3FA5]  }
0x29: {  	s4 =	sld [smem:$0x3FA7]  }
0x2a: {  	p0 =	seq.s32 s5, $0x0;
	s5 =	sld [smem:$0x3FA8]  }
0x2b: {  	s6 =	sld [smem:$0x3FA9]  }
0x2c: {  	s7 =	sld [smem:$0x3FAA]  }
0x2d: {  	s3 =	simm.s32 $0x108;
	s8 =	sld [smem:$0x3FAB]  }
0x2e: {  	s3 =	simm.s32 @!p0 $0x1082;
	s9 =	sld [smem:$0x3FAC]  }
0x2f: {  	lr =	sadd.s32 s0, s3;
	s0 =	sld [smem:$0x3FA3]  }
0x30: {  	s3 =	sld [smem:$0x3FA6]  }
0x31: {  	[smem:$0x3FAF] =	sst s10  }
0x32: {  	s10 =	sld [smem:$0x3FAD];
	_ =	sdelay $0x3  }
0x33: {  	p0 =	seq.s32 s10, $0x1;
	s10 =	sld [smem:$0x3FAF];
	_ =	sdelay $0x3  }
0x34: {  	[smem:$0x3FAF] =	sst s10  }
0x35: {  	s10 =	sld [smem:$0x3FAE];
	_ =	sdelay $0x3  }
0x36: {  	p1 =	seq.s32 s10, $0x1;
	s10 =	sld [smem:$0x3FAF];
	_ =	sdelay $0x3  }
0x37: {  	[smem:$0x3FAF] =	sst s10  }
0x38: {  	s10 =	sld [smem:$0x3FB0]  }
0x39: {  	_ = 	snop;
	(pc) =	sbr.ind lr, $3  }
0x3a: {  	_ = 	snop  }
0x3b: {  	_ = 	snop  }
0x3c: {  	p2 =	seq.s32 s10, $0x1;
	s10 =	sld [smem:$0x3FAF]  }
0x3d: {  	_ =	shalt  }
0x3e: {  	_ =	shalt  }
0x3f: {  	_ =	shalt  }
0x40: {  	_ =	shalt  }
0x41: {  	_ =	shalt  }
0x42: {  	_ =	shalt  }
0x43: {  	_ =	shalt  }
0x44: {  	_ =	shalt  }
0x45: {  	_ =	shalt  }
0x46: {  	_ =	shalt  }
0x47: {  	_ =	shalt  }
0x48: {  	_ =	shalt  }
0x49: {  	_ =	shalt  }
0x4a: {  	_ =	shalt  }
0x4b: {  	_ =	shalt  }
0x4c: {  	_ =	shalt  }
0x4d: {  	_ =	shalt  }
0x4e: {  	_ =	shalt  }
0x4f: {  	_ =	shalt  }
0x50: {  	_ =	shalt  }
0x51: {  	_ =	shalt  }
0x52: {  	_ =	shalt  }
0x53: {  	_ =	shalt  }
0x54: {  	_ =	shalt  }
0x55: {  	_ =	shalt  }
0x56: {  	_ =	shalt  }
0x57: {  	_ =	shalt  }
0x58: {  	_ =	shalt  }
0x59: {  	_ =	shalt  }
0x5a: {  	_ =	shalt  }
0x5b: {  	_ =	shalt  }
0x5c: {  	_ =	shalt  }
0x5d: {  	_ =	shalt  }
0x5e: {  	_ =	shalt  }
0x5f: {  	_ =	shalt  }
0x60: {  	_ =	shalt  }
0x61: {  	_ =	shalt  }
0x62: {  	_ =	shalt  }
0x63: {  	_ =	shalt  }
0x64: {  	_ =	shalt  }
0x65: {  	_ =	shalt  }
0x66: {  	_ =	shalt  }
0x67: {  	_ =	shalt  }
0x68: {  	_ =	shalt  }
0x69: {  	_ =	shalt  }
0x6a: {  	_ =	shalt  }
0x6b: {  	_ =	shalt  }
0x6c: {  	_ =	shalt  }
0x6d: {  	_ =	shalt  }
0x6e: {  	_ =	shalt  }
0x6f: {  	_ =	shalt  }
0x70: {  	_ =	shalt  }
0x71: {  	_ =	shalt  }
0x72: {  	_ =	shalt  }
0x73: {  	_ =	shalt  }
0x74: {  	_ =	shalt  }
0x75: {  	_ =	shalt  }
0x76: {  	_ =	shalt  }
0x77: {  	_ =	shalt  }
0x78: {  	_ =	shalt  }
0x79: {  	_ =	shalt  }
0x7a: {  	_ =	shalt  }
0x7b: {  	_ =	shalt  }
0x7c: {  	_ =	shalt  }
0x7d: {  	_ =	shalt  }
0x7e: {  	_ =	shalt  }
0x7f: {  	_ =	shalt  }
0x80: {  	_ =	shalt  }
0x81: {  	_ =	shalt  }
0x82: {  	_ =	shalt  }
0x83: {  	_ =	shalt  }
0x84: {  	_ =	shalt  }
0x85: {  	_ =	shalt  }
0x86: {  	_ =	shalt  }
0x87: {  	_ =	shalt  }
.Lfunc_end0:
.L_simem_size_0:
called_computation_lowered:
.L_overlay_start_0:
0x88: {  	s2 =	sld [smem:$0x3FD9]  }
0x89: {  	s3 =	sld [smem:$0x3FFE];
	_ =	sdelay $0x1  }
0x8a: {  	s1 =	srdreg.scid  }
0x8b: {  	s0 =	sand.u32 $0x1, s1  }
0x8c: {  	s17 =	sshll.u32 s0, $0xA;
	s2 =	sadd.s32 s3, s2  }
0x8d: {  	s2 =	sadd.s32 s2, s17  }
0x8e: {  	[smem:$0x3FBB] =	sst s2  }
0x8f: {  	_ = 	snop  }
0x90: {  	(tm) =	ssettm $0x1  }
0x91: {  	s18 =	sld [smem:$0x3FFB];
	_ =	sdelay $0x3  }
0x92: {  	_ =	strace s18  }
0x93: {  	s2 =	sld [smem:$0x3FFC];
	_ =	sdelay $0x3  }
0x94: {  	_ =	strace s2  }
0x95: {  	s2 =	sld [smem:$0x3FFD];
	_ =	sdelay $0x3  }
0x96: {  	_ =	strace s2  }
0x97: {  	_ =	strace $0x8FFFFFFF  }
0x98: {  	s19 =	sld [smem:$0x3FDB];
	_ =	sdelay $0x1  }
0x99: {  	s20 =	simm.s32 $_scs_section_size  }
0x9a: {  	s4 =	simm.s32 $_size__tile_overlayer_lowered;
	s5 =	simm.s32 $_tile_overlayer_lowered  }
0x9b: {  	s6 =	simm.s32 $0x1BFF;
	s21 =	sshll.u32 s5, $0x1;
	s3 =	sadd.s32 s20, s19  }
0x9c: {  	s22 =	simm.s32 $0x0;
	s4 =	sshll.u32 s4, $0x1;
	s5 =	sadd.s32 s21, s3  }
0x9d: {  	[timem:s22], [sflag:s6] =	dma.local [hbm:s5], s4  }
0x9e: {  	_ =	swait.ge [sflag:s6], s4  }
0x9f: {  	s4 =	ssub.s32 $0x0, s4;
	[sflag:s6] =	ssyncset.done $0x0  }
0xa0: {  	[sflag:s6] =	ssyncadd.s32 s4;
	_ =	sdelay $0x1  }
0xa1: {  	s23 =	simm.s32 $0x1B8B  }
0xa2: {  	_ =	swait.ge [sflag:s23], $0x1  }
0xa3: {  	[sflag:s23] =	ssyncset.done $0x0  }
0xa4: {  	[sflag:s23] =	ssyncadd.s32 $0xFFFFFFFF  }
0xa5: {  	s4 =	sld [smem:$0x0]  }
0xa6: {  	s5 =	sand.u32 $0xFFFFFFFE, s1  }
0xa7: {  	p0 =	sne.s32 s1, s5  }
0xa8: {  	s5 =	sshll.u32 @p0 s5, $0xE  }
0xa9: {  	s5 =	sadd.s32 @p0 $0x11B8D, s5;
	s6 =	sshll.u32 @p0 s4, $0x11  }
0xaa: {  	s5 =	sor.u32 @p0 s6, s5  }
0xab: {  	[sflag:s5] =	ssyncadd.remote.s32 @p0 $0x1;
	_ =	sdelay $0x1  }
0xac: {  	s5 =	simm.s32 @p0 $0x1B8D  }
0xad: {  	_ =	swait.eq @p0 [sflag:s5], $0x1  }
0xae: {  	[sflag:s5] =	ssyncadd.s32 @p0 $0xFFFFFFFF  }
0xaf: {  	s6 =	sshll.u32 @!p0 s1, $0xE  }
0xb0: {  	s6 =	sor.u32 @!p0 $0x4000, s6;
	s5 =	simm.s32 @!p0 $0x1B8D  }
0xb1: {  	s4 =	sshll.u32 @!p0 s4, $0x11;
	s6 =	sadd.s32 @!p0 $0x11B8D, s6;
	_ =	swait.eq @!p0 [sflag:s5], $0x1  }
0xb2: {  	s4 =	sor.u32 @!p0 s4, s6;
	[sflag:s5] =	ssyncadd.s32 @!p0 $0xFFFFFFFF  }
0xb3: {  	s25 =	simm.s32 $0x1B8E;
	s24 =	sld [smem:$0x3FFE];
	[sflag:s4] =	ssyncadd.remote.s32 @!p0 $0x1  }
0xb4: {  	s26 =	simm.s32 $execute0_lowered;
	[smem:$0x3FD2] =	sst s25  }
0xb5: {  	s5 =	sshll.u32 s26, $0x1;
	_ =	strace $0x80000049;
	[dreg:$0x1] =	wrdreg $0xFFFFFFFF  }
0xb6: {  	s28 =	simm.s32 $_size_execute0_lowered;
	s3 =	sadd.s32 s3, s5;
	[dreg:$0x0] =	wrdreg $0x0  }
0xb7: {  	s5 =	sshll.u32 s28, $0x1;
	[dreg:$0x2] =	wrdreg s3  }
0xb8: {  	[dreg:$0x3] =	wrdreg s5  }
0xb9: {  	[dreg:$0x4] =	wrdreg $0xC0  }
0xba: {  	_ =	task [dreg:s22], $0x5FFFF  }
0xbb: {  	[dreg:$0x1] =	wrdreg $0xFFFFFFFF  }
0xbc: {  	[dreg:$0x0] =	wrdreg $0x60  }
0xbd: {  	[dreg:$0x2] =	wrdreg s24  }
0xbe: {  	[dreg:$0x3] =	wrdreg $0x0  }
0xbf: {  	[dreg:$0x4] =	wrdreg $0x9  }
0xc0: {  	_ =	task.clear_ibuf [dreg:s22], $0x5FFFF;
	_ =	strace $0x90000049  }
0xc1: {  	s29 =	simm.s32 $0x9;
	_ =	strace $0x8000004B  }
0xc2: {  	_ =	swait.ge [sflag:s29], $0x1  }
0xc3: {  	[sflag:s29] =	ssyncadd.s32 $0xFFFFFFFF  }
0xc4: {  	_ =	strace $0x9000004B  }
0xc5: {  	_ =	sfence  }
0xc6: {  	s30 =	sld [smem:$0x0];
	_ =	sdelay $0x2  }
0xc7: {  	s31 =	sshll.u32 s1, $0xD;
	s1 =	sshrl.u32 s1, $0x2  }
0xc8: {  	s4 =	sand.u32 $0x4000, s31;
	s1 =	sadd.s32 s1, s30  }
0xc9: {  	s0 =	sor.u32 s4, s0;
	s1 =	sshll.u32 s1, $0x11  }
0xca: {  	s0 =	sor.u32 s1, s0  }
0xcb: {  	s0 =	sadd.s32 $0x8F2B, s0  }
0xcc: {  	[sflag:s0] =	ssyncadd.remote.s32 $0x1  }
0xcd: {  	_ =	sfence.sel $0xFFFF  }
0xce: {  	[dreg:$0x0] =	wrdreg $0xFFFFFFFF;
	(pc) =	sbr.abs _section_cstart, $3  }
0xcf: {  	[dreg:$0x1] =	wrdreg $0xFFFFFFFF  }
0xd0: {  	_ =	task.clear_ibuf [dreg:s22], $0x2FFFF;
	_ =	strace $0x9FFFFFFF  }
0xd1: {  	(tm) =	ssettm $0x7FFFFFFF  }
tec
execute0_lowered:
.L_overlay_start_1:
0x0: {  	(tag) =	ssettag $0x1  }
0x1: {  	s16 =	stileid.u32  }
0x2: {  	s0 =	srdreg.scid;
	s6 =	smul.u32 $0x2710, s16  }
0x3: {  	s1 =	rddreg [dreg:$0x0];
	s7 =	smul.u32 $0x280, s16  }
0x4: {  	s2 =	rddreg [dreg:$0x1];
	s19 =	smul.u32 $0x50000, s16  }
0x5: {  	s3 =	simm.s32 $0x0;
	s0 =	sand.u32 $0x1, s0;
	s26 =	smul.u32 $0x27100, s16  }
0x6: {  	s28 =	simm.s32 $0x16880;
	s29 =	simm.s32 $0x1;
	s4 =	smul.u32 $0x271000, s0  }
0x7: {  	s30 =	simm.s32 $0x14000;
	s31 =	simm.s32 $0x14080;
	s5 =	smul.u32 $0x27100, s0  }
0x8: {  	[smem:$0x7FF] =	sst s3;
	s17 =	smul.u32 $0x2800, s0;
	s0 =	ssub.s32 $0x2, s0  }
0x9: {  	_ =	strace $0x8000004A;
	s21 =	sshrl.u32 s0, $0x1;
	s5 =	sadd.s32 s6, s5  }
0xa: {  	s14 =	sadd.s32 s4, s1;
	s20 =	sadd.s32 s7, s17;
	s0 =	ssub.s32 s0, s21  }
0xb: {  	s18 =	sshrl.u32 s5, $0x3;
	s4 =	sshll.u32 s20, $0x4;
	s5 =	sshrl.u32 s19, $0x2  }
0xc: {  	s0 =	smax.u32 s0, $0x1;
	s15 =	sadd.s32 s18, s1;
	s1 =	sadd.s32 s4, s1  }
0xd: {  	s4 =	sadd.s32 s5, s2;
	[dreg:$0x3] =	wrdreg s0;
	s0 =	sadd.s32 s26, s14  }
0xe: {  	s6 =	sadd.s32 $0x2000, s4;
	s7 =	sadd.s32 $0x4000, s4;
	s8 =	sadd.s32 $0x6000, s4  }
0xf: {  	s9 =	sadd.s32 $0x8000, s4;
	s10 =	sadd.s32 $0xA000, s4;
	s11 =	sadd.s32 $0xC000, s4  }
0x10: {  	s12 =	sadd.s32 $0xE000, s4;
	s13 =	sadd.s32 $0x10000, s4;
	s22 =	sadd.s32 $0x67200, s1  }
0x11: {  	s23 =	sadd.s32 $0x67600, s1;
	s24 =	sadd.s32 $0x67A00, s1;
	[dreg:$0x4] =	wrdreg s22  }
0x12: {  	s25 =	sadd.s32 $0x67E00, s1;
	s18 =	sadd.s32 $0x68200, s1;
	[dreg:$0x5] =	wrdreg s23  }
0x13: {  	s19 =	sadd.s32 $0x68600, s1;
	s20 =	sadd.s32 $0x68A00, s1;
	[dreg:$0x6] =	wrdreg s24  }
0x14: {  	s21 =	sadd.s32 $0x68E00, s1;
	s26 =	sadd.s32 $0x12000, s4;
	[dreg:$0x7] =	wrdreg s25  }
0x15: {  	s22 =	sadd.s32 $0x69200, s1;
	s23 =	sadd.s32 $0x69600, s1;
	s24 =	sadd.s32 $0x549200, s0  }
0x16: {  	v0 =	vimm.f32 $0.0e+00;
	s25 =	sadd.s32 $0x3600, s15;
	s0 =	simm.s32 $0x50;
	s1 =	simm.s32 $0x0  }
.LBB2_1:
0x17: {  	s5 =	simm.s32 $0x0;
	s14 =	simm.s32 $0x200  }
.LBB2_2:
0x18: {  	p0 =	sne.s32 s14, $0x7E00;
	[tilespmem:s5+$0x168F0] =	vst v0  }
0x19: {  	[tilespmem:s5+$0x16880] =	vst v0  }
0x1a: {  	[tilespmem:s5+$0x16890] =	vst v0  }
.Ltmp0:
0x1b: {  	[tilespmem:s5+$0x168A0] =	vst v0;
	(pc) =	sbr.rel @p0 .LBB2_2-.Ltmp0, $4  }
0x1c: {  	[tilespmem:s5+$0x168B0] =	vst v0  }
0x1d: {  	[tilespmem:s5+$0x168C0] =	vst v0  }
0x1e: {  	[tilespmem:s5+$0x168D0] =	vst v0  }
0x1f: {  	[tilespmem:s5+$0x168E0] =	vst v0;
	s5 =	sshra.s32 s14, $0x2;
	s14 =	sadd.s32 $0x200, s14  }
0x20: {  	[tilespmem:s5+$0x168F0] =	vst v0  }
0x21: {  	[tilespmem:s5+$0x16880] =	vst v0  }
0x22: {  	[tilespmem:s5+$0x16890] =	vst v0  }
0x23: {  	[tilespmem:s5+$0x168A0] =	vst v0  }
0x24: {  	[tilespmem:s5+$0x168B0] =	vst v0  }
0x25: {  	[tilespmem:s5+$0x168C0] =	vst v0  }
0x26: {  	[tilespmem:s5+$0x168D0] =	vst v0  }
0x27: {  	[tilespmem:s5+$0x168E0] =	vst v0  }
0x28: {  	[spmem:s4] =	stream.linear.scatter [tilespmem:s28], [sflag:$0x1], $0x2000, $0x38;
	[tilespmem:$0x18880] =	vst v63  }
0x29: {  	_ =	swait.ge [sflag:s29], $0x2000  }
0x2a: {  	[sflag:s29] =	ssyncset.done $0x0  }
0x2b: {  	[sflag:s29] =	ssyncadd.s32 $0xFFFFE000  }
0x2c: {  	[spmem:s6] =	stream.linear.scatter [tilespmem:s28], [sflag:$0x1], $0x2000, $0x38;
	[tilespmem:$0x18880] =	vst v63  }
0x2d: {  	_ =	swait.ge [sflag:s29], $0x2000  }
0x2e: {  	[sflag:s29] =	ssyncset.done $0x0  }
0x2f: {  	[sflag:s29] =	ssyncadd.s32 $0xFFFFE000  }
0x30: {  	[spmem:s7] =	stream.linear.scatter [tilespmem:s28], [sflag:$0x1], $0x2000, $0x38;
	[tilespmem:$0x18880] =	vst v63  }
0x31: {  	_ =	swait.ge [sflag:s29], $0x2000  }
0x32: {  	[sflag:s29] =	ssyncset.done $0x0  }
0x33: {  	[sflag:s29] =	ssyncadd.s32 $0xFFFFE000  }
0x34: {  	[spmem:s8] =	stream.linear.scatter [tilespmem:s28], [sflag:$0x1], $0x2000, $0x38;
	[tilespmem:$0x18880] =	vst v63  }
0x35: {  	_ =	swait.ge [sflag:s29], $0x2000  }
0x36: {  	[sflag:s29] =	ssyncset.done $0x0  }
0x37: {  	[sflag:s29] =	ssyncadd.s32 $0xFFFFE000  }
0x38: {  	[spmem:s9] =	stream.linear.scatter [tilespmem:s28], [sflag:$0x1], $0x2000, $0x38;
	[tilespmem:$0x18880] =	vst v63  }
0x39: {  	_ =	swait.ge [sflag:s29], $0x2000  }
0x3a: {  	[sflag:s29] =	ssyncset.done $0x0  }
0x3b: {  	[sflag:s29] =	ssyncadd.s32 $0xFFFFE000  }
0x3c: {  	[spmem:s10] =	stream.linear.scatter [tilespmem:s28], [sflag:$0x1], $0x2000, $0x38;
	[tilespmem:$0x18880] =	vst v63  }
0x3d: {  	_ =	swait.ge [sflag:s29], $0x2000  }
0x3e: {  	[sflag:s29] =	ssyncset.done $0x0  }
0x3f: {  	[sflag:s29] =	ssyncadd.s32 $0xFFFFE000  }
0x40: {  	[spmem:s11] =	stream.linear.scatter [tilespmem:s28], [sflag:$0x1], $0x2000, $0x38;
	[tilespmem:$0x18880] =	vst v63  }
0x41: {  	_ =	swait.ge [sflag:s29], $0x2000  }
0x42: {  	[sflag:s29] =	ssyncset.done $0x0  }
0x43: {  	[sflag:s29] =	ssyncadd.s32 $0xFFFFE000  }
0x44: {  	[spmem:s12] =	stream.linear.scatter [tilespmem:s28], [sflag:$0x1], $0x2000, $0x38;
	[tilespmem:$0x18880] =	vst v63  }
0x45: {  	_ =	swait.ge [sflag:s29], $0x2000  }
0x46: {  	[sflag:s29] =	ssyncset.done $0x0  }
0x47: {  	[sflag:s29] =	ssyncadd.s32 $0xFFFFE000  }
0x48: {  	[spmem:s13] =	stream.linear.scatter [tilespmem:s28], [sflag:$0x1], $0x2000, $0x38;
	[tilespmem:$0x18880] =	vst v63  }
0x49: {  	_ =	swait.ge [sflag:s29], $0x2000  }
0x4a: {  	[sflag:s29] =	ssyncset.done $0x0  }
0x4b: {  	[sflag:s29] =	ssyncadd.s32 $0xFFFFE000  }
0x4c: {  	[spmem:s26] =	stream.linear.scatter [tilespmem:s28], [sflag:$0x1], $0x2000, $0x38;
	[tilespmem:$0x18880] =	vst v63  }
0x4d: {  	_ =	swait.ge [sflag:s29], $0x2000  }
0x4e: {  	[sflag:s29] =	ssyncset.done $0x0  }
0x4f: {  	[sflag:s29] =	ssyncadd.s32 $0xFFFFE000  }
0x50: {  	s17 =	sadd.s32 $0x0, s25;
	[bflag:$0x0] =	sbarrier.arrive $0xFFFF  }
0x51: {  	[tilespmem:s30], [sflag:$0x1] =	stream.linear.gather [hbm4b:s17+s3], $0x50, $0x38;
	[tilespmem:$0x18880] =	vst v63  }
0x52: {  	_ =	swait.ge [sflag:s29], $0x50  }
0x53: {  	[sflag:s29] =	ssyncset.done $0x0  }
0x54: {  	[sflag:s29] =	ssyncadd.s32 $0xFFFFFFB0  }
0x55: {  	[tilespmem:s31], [sflag:$0x1] =	stream.linear.gather [hbm4b:s24+s3], $0x2800, $0x38;
	[tilespmem:$0x18880] =	vst v63  }
0x56: {  	_ =	swait.ge [sflag:s29], $0x2800  }
0x57: {  	[sflag:s29] =	ssyncset.done $0x0  }
0x58: {  	[sflag:s29] =	ssyncadd.s32 $0xFFFFD800  }
0x59: {  	[spmem:s2] =	stream.indirect.scatter.add.f32 [tilespmem:s31], [sflag:$0x1], $0x80, s30, s0, $0xb8;
	[tilespmem:$0x18880] =	vst v63  }
0x5a: {  	s14 =	simm.s32 $0xA;
	_ =	swait.ge [sflag:s29], $0x2800  }
0x5b: {  	s15 =	simm.s32 $0x14;
	s5 =	sadd.s32 $0x500, s24;
	[sflag:s29] =	ssyncset.done $0x0  }
.LBB2_4:
0x5c: {  	s16 =	sadd.s32 s14, s25  }
0x5d: {  	[sflag:s29] =	ssyncadd.s32 $0xFFFFD800;
	s14 =	smov.u32 s15;
	s17 =	sadd.s32 $0xA, s15  }
0x5e: {  	[tilespmem:s30], [sflag:$0x1] =	stream.linear.gather [hbm4b:s16+s3], $0x50, $0x38;
	[tilespmem:$0x18880] =	vst v63  }
0x5f: {  	p0 =	sne.s32 s15, $0x4D8;
	_ =	swait.ge [sflag:s29], $0x50  }
0x60: {  	[sflag:s29] =	ssyncset.done $0x0  }
0x61: {  	[sflag:s29] =	ssyncadd.s32 $0xFFFFFFB0  }
0x62: {  	[tilespmem:s31], [sflag:$0x1] =	stream.linear.gather [hbm4b:s5+s3], $0x2800, $0x38;
	[tilespmem:$0x18880] =	vst v63  }
0x63: {  	_ =	swait.ge [sflag:s29], $0x2800  }
.Ltmp1:
0x64: {  	[sflag:s29] =	ssyncset.done $0x0;
	(pc) =	sbr.rel @p0 .LBB2_4-.Ltmp1, $4  }
0x65: {  	[sflag:s29] =	ssyncadd.s32 $0xFFFFD800  }
0x66: {  	[spmem:s2] =	stream.indirect.scatter.add.f32 [tilespmem:s31], [sflag:$0x1], $0x80, s30, s0, $0xb8;
	[tilespmem:$0x18880] =	vst v63  }
0x67: {  	_ =	swait.ge [sflag:s29], $0x2800  }
0x68: {  	s15 =	smov.u32 s17;
	s5 =	sadd.s32 $0x500, s5;
	[sflag:s29] =	ssyncset.done $0x0  }
0x69: {  	s14 =	sadd.s32 s14, s25;
	[sflag:s29] =	ssyncadd.s32 $0xFFFFD800  }
0x6a: {  	[tilespmem:s30], [sflag:$0x1] =	stream.linear.gather [hbm4b:s14+s3], $0x50, $0x38;
	[tilespmem:$0x18880] =	vst v63  }
0x6b: {  	_ =	swait.ge [sflag:s29], $0x50  }
0x6c: {  	[sflag:s29] =	ssyncset.done $0x0  }
0x6d: {  	[sflag:s29] =	ssyncadd.s32 $0xFFFFFFB0  }
0x6e: {  	[tilespmem:s31], [sflag:$0x1] =	stream.linear.gather [hbm4b:s5+s3], $0x2800, $0x38;
	[tilespmem:$0x18880] =	vst v63  }
0x6f: {  	_ =	swait.ge [sflag:s29], $0x2800  }
0x70: {  	[sflag:s29] =	ssyncset.done $0x0  }
0x71: {  	[sflag:s29] =	ssyncadd.s32 $0xFFFFD800  }
0x72: {  	[spmem:s2] =	stream.indirect.scatter.add.f32 [tilespmem:s31], [sflag:$0x1], $0x80, s30, s0, $0xb8;
	[tilespmem:$0x18880] =	vst v63  }
0x73: {  	_ =	swait.ge [sflag:s29], $0x2800  }
0x74: {  	[sflag:s29] =	ssyncset.done $0x0  }
0x75: {  	[sflag:s29] =	ssyncadd.s32 $0xFFFFD800  }
0x76: {  	[bflag:$0x0] =	sbarrier.arrive $0xFFFF  }
0x77: {  	[tilespmem:s28], [sflag:$0x1] =	stream.linear.gather [spmem:s4], $0x2000, $0x38;
	[tilespmem:$0x18880] =	vst v63  }
0x78: {  	_ =	swait.ge [sflag:s29], $0x2000  }
0x79: {  	[sflag:s29] =	ssyncset.done $0x0  }
0x7a: {  	s17 =	rddreg [dreg:$0x4];
	[sflag:s29] =	ssyncadd.s32 $0xFFFFE000  }
0x7b: {  	[hbm4b:s17+s3] =	stream.linear.scatter [tilespmem:s28], [sflag:$0x1], $0x2000, $0x38;
	[tilespmem:$0x18880] =	vst v63  }
0x7c: {  	_ =	swait.ge [sflag:s29], $0x2000  }
0x7d: {  	[sflag:s29] =	ssyncset.done $0x0  }
0x7e: {  	[sflag:s29] =	ssyncadd.s32 $0xFFFFE000  }
0x7f: {  	[tilespmem:s28], [sflag:$0x1] =	stream.linear.gather [spmem:s6], $0x2000, $0x38;
	[tilespmem:$0x18880] =	vst v63  }
0x80: {  	_ =	swait.ge [sflag:s29], $0x2000  }
0x81: {  	[sflag:s29] =	ssyncset.done $0x0  }
0x82: {  	s14 =	rddreg [dreg:$0x5];
	[sflag:s29] =	ssyncadd.s32 $0xFFFFE000  }
0x83: {  	[hbm4b:s14+s3] =	stream.linear.scatter [tilespmem:s28], [sflag:$0x1], $0x2000, $0x38;
	[tilespmem:$0x18880] =	vst v63  }
0x84: {  	_ =	swait.ge [sflag:s29], $0x2000  }
0x85: {  	[sflag:s29] =	ssyncset.done $0x0  }
0x86: {  	[sflag:s29] =	ssyncadd.s32 $0xFFFFE000  }
0x87: {  	[tilespmem:s28], [sflag:$0x1] =	stream.linear.gather [spmem:s7], $0x2000, $0x38;
	[tilespmem:$0x18880] =	vst v63  }
0x88: {  	_ =	swait.ge [sflag:s29], $0x2000  }
0x89: {  	[sflag:s29] =	ssyncset.done $0x0  }
0x8a: {  	s15 =	rddreg [dreg:$0x6];
	[sflag:s29] =	ssyncadd.s32 $0xFFFFE000  }
0x8b: {  	[hbm4b:s15+s3] =	stream.linear.scatter [tilespmem:s28], [sflag:$0x1], $0x2000, $0x38;
	[tilespmem:$0x18880] =	vst v63  }
0x8c: {  	_ =	swait.ge [sflag:s29], $0x2000  }
0x8d: {  	[sflag:s29] =	ssyncset.done $0x0  }
0x8e: {  	[sflag:s29] =	ssyncadd.s32 $0xFFFFE000  }
0x8f: {  	[tilespmem:s28], [sflag:$0x1] =	stream.linear.gather [spmem:s8], $0x2000, $0x38;
	[tilespmem:$0x18880] =	vst v63  }
0x90: {  	_ =	swait.ge [sflag:s29], $0x2000  }
0x91: {  	[sflag:s29] =	ssyncset.done $0x0  }
0x92: {  	s16 =	rddreg [dreg:$0x7];
	[sflag:s29] =	ssyncadd.s32 $0xFFFFE000  }
0x93: {  	[hbm4b:s16+s3] =	stream.linear.scatter [tilespmem:s28], [sflag:$0x1], $0x2000, $0x38;
	[tilespmem:$0x18880] =	vst v63  }
0x94: {  	_ =	swait.ge [sflag:s29], $0x2000  }
0x95: {  	[sflag:s29] =	ssyncset.done $0x0  }
0x96: {  	[sflag:s29] =	ssyncadd.s32 $0xFFFFE000  }
0x97: {  	[tilespmem:s28], [sflag:$0x1] =	stream.linear.gather [spmem:s9], $0x2000, $0x38;
	[tilespmem:$0x18880] =	vst v63  }
0x98: {  	_ =	swait.ge [sflag:s29], $0x2000  }
0x99: {  	[sflag:s29] =	ssyncset.done $0x0  }
0x9a: {  	[sflag:s29] =	ssyncadd.s32 $0xFFFFE000  }
0x9b: {  	[hbm4b:s18+s3] =	stream.linear.scatter [tilespmem:s28], [sflag:$0x1], $0x2000, $0x38;
	[tilespmem:$0x18880] =	vst v63  }
0x9c: {  	_ =	swait.ge [sflag:s29], $0x2000  }
0x9d: {  	[sflag:s29] =	ssyncset.done $0x0  }
0x9e: {  	[sflag:s29] =	ssyncadd.s32 $0xFFFFE000  }
0x9f: {  	[tilespmem:s28], [sflag:$0x1] =	stream.linear.gather [spmem:s10], $0x2000, $0x38;
	[tilespmem:$0x18880] =	vst v63  }
0xa0: {  	_ =	swait.ge [sflag:s29], $0x2000  }
0xa1: {  	[sflag:s29] =	ssyncset.done $0x0  }
0xa2: {  	[sflag:s29] =	ssyncadd.s32 $0xFFFFE000  }
0xa3: {  	[hbm4b:s19+s3] =	stream.linear.scatter [tilespmem:s28], [sflag:$0x1], $0x2000, $0x38;
	[tilespmem:$0x18880] =	vst v63  }
0xa4: {  	_ =	swait.ge [sflag:s29], $0x2000  }
0xa5: {  	[sflag:s29] =	ssyncset.done $0x0  }
0xa6: {  	[sflag:s29] =	ssyncadd.s32 $0xFFFFE000  }
0xa7: {  	[tilespmem:s28], [sflag:$0x1] =	stream.linear.gather [spmem:s11], $0x2000, $0x38;
	[tilespmem:$0x18880] =	vst v63  }
0xa8: {  	_ =	swait.ge [sflag:s29], $0x2000  }
0xa9: {  	[sflag:s29] =	ssyncset.done $0x0  }
0xaa: {  	[sflag:s29] =	ssyncadd.s32 $0xFFFFE000  }
0xab: {  	[hbm4b:s20+s3] =	stream.linear.scatter [tilespmem:s28], [sflag:$0x1], $0x2000, $0x38;
	[tilespmem:$0x18880] =	vst v63  }
0xac: {  	_ =	swait.ge [sflag:s29], $0x2000  }
0xad: {  	[sflag:s29] =	ssyncset.done $0x0  }
0xae: {  	[sflag:s29] =	ssyncadd.s32 $0xFFFFE000  }
0xaf: {  	[tilespmem:s28], [sflag:$0x1] =	stream.linear.gather [spmem:s12], $0x2000, $0x38;
	[tilespmem:$0x18880] =	vst v63  }
0xb0: {  	_ =	swait.ge [sflag:s29], $0x2000  }
0xb1: {  	[sflag:s29] =	ssyncset.done $0x0  }
0xb2: {  	[sflag:s29] =	ssyncadd.s32 $0xFFFFE000  }
0xb3: {  	[hbm4b:s21+s3] =	stream.linear.scatter [tilespmem:s28], [sflag:$0x1], $0x2000, $0x38;
	[tilespmem:$0x18880] =	vst v63  }
0xb4: {  	_ =	swait.ge [sflag:s29], $0x2000  }
0xb5: {  	[sflag:s29] =	ssyncset.done $0x0  }
0xb6: {  	[sflag:s29] =	ssyncadd.s32 $0xFFFFE000  }
0xb7: {  	[tilespmem:s28], [sflag:$0x1] =	stream.linear.gather [spmem:s13], $0x2000, $0x38;
	[tilespmem:$0x18880] =	vst v63  }
0xb8: {  	_ =	swait.ge [sflag:s29], $0x2000  }
0xb9: {  	[sflag:s29] =	ssyncset.done $0x0  }
0xba: {  	[sflag:s29] =	ssyncadd.s32 $0xFFFFE000  }
0xbb: {  	[hbm4b:s22+s3] =	stream.linear.scatter [tilespmem:s28], [sflag:$0x1], $0x2000, $0x38;
	[tilespmem:$0x18880] =	vst v63  }
0xbc: {  	_ =	swait.ge [sflag:s29], $0x2000  }
0xbd: {  	[sflag:s29] =	ssyncset.done $0x0  }
0xbe: {  	[sflag:s29] =	ssyncadd.s32 $0xFFFFE000  }
0xbf: {  	[tilespmem:s28], [sflag:$0x1] =	stream.linear.gather [spmem:s26], $0x2000, $0x38;
	[tilespmem:$0x18880] =	vst v63  }
0xc0: {  	_ =	swait.ge [sflag:s29], $0x2000  }
0xc1: {  	[sflag:s29] =	ssyncset.done $0x0  }
0xc2: {  	[sflag:s29] =	ssyncadd.s32 $0xFFFFE000  }
0xc3: {  	[hbm4b:s23+s3] =	stream.linear.scatter [tilespmem:s28], [sflag:$0x1], $0x2000, $0x38;
	[tilespmem:$0x18880] =	vst v63  }
0xc4: {  	_ =	swait.ge [sflag:s29], $0x2000  }
0xc5: {  	s1 =	sadd.s32 $0x1, s1;
	s17 =	rddreg [dreg:$0x3]  }
0xc6: {  	p0 =	sne.s32 s1, s17  }
.Ltmp2:
0xc7: {  	_ = 	snop;
	(pc) =	sbr.rel @p0 .LBB2_1-.Ltmp2, $3  }
0xc8: {  	_ =	sdelay $0x1  }
0xc9: {  	[sflag:s29] =	ssyncset.done $0x0  }
0xca: {  	[sflag:s29] =	ssyncadd.s32 $0xFFFFE000  }
0xcb: {  	_ =	sfence.sel $0x180000  }
0xcc: {  	[bflag:$0x0] =	sbarrier.arrive $0xFFFF  }
0xcd: {  	_ =	strace $0x9000004A  }
0xce: {  	s0 =	stileid.u32;
	[bflag:$0x2] =	sbarrier.arrive $0xFFFF  }
0xcf: {  	p0 =	sne.s32 s0, $0x0;
	s0 =	rddreg [dreg:$0x2]  }
0xd0: {  	s0 =	sadd.s32 @!p0 $0x100000, s0  }
0xd1: {  	[sflag:s0] =	ssyncadd.tile.s32 @!p0 $0x1;
	_ =	shalt  }
.Lfunc_end2:
_tile_overlayer_lowered:
.L_overlay_start_2:
0xd2: {  	(tag) =	ssettag $0x2  }
0xd3: {  	s0 =	rddreg [dreg:$0x0];
	s2 =	stileid.u32  }
0xd4: {  	s1 =	rddreg [dreg:$0x1];
	p0 =	sne.s32 s2, $0x0  }
0xd5: {  	s3 =	rddreg [dreg:$0x2];
	[bflag:$0x3] =	sbarrier.arrive $0xFFFF;
	s2 =	simm.s32 @!p0 $0x1C01  }
0xd6: {  	[timem:s3], [sflag:s2] =	dma.local @!p0 [hbm:s0], s1  }
0xd7: {  	s0 =	simm.s32 @!p0 $0x1  }
0xd8: {  	_ =	swait.ge @!p0 [sflag:s0], s1  }
0xd9: {  	s1 =	ssub.s32 @!p0 $0x0, s1;
	[sflag:s0] =	ssyncset.done @!p0 $0x0  }
0xda: {  	[sflag:s0] =	ssyncadd.s32 @!p0 s1  }
0xdb: {  	[bflag:$0x3] =	sbarrier.arrive $0xFFFF  }
0xdc: {  	_ =	shalt  }

</sc_bundles>
